<compile_context>
chip_gen: v7x
topology: tpu7x:2x2x1
jax: 0.10.2.dev20260603
libtpu: 0.0.44.dev20260713+nightly
codegen_flags: <defaults>
</compile_context>

<pallas_src>
import functools

import jax
import jax.numpy as jnp
from jax.experimental import pallas as pl
from jax.experimental.pallas import tpu as pltpu

N_CENTER = 512
N_NEAR = 32
N_STEPK = 10



def _index_points(points, idx):
    B = points.shape[0]
    bidx = jnp.arange(B).reshape((B,) + (1,) * (idx.ndim - 1))
    bidx = jnp.broadcast_to(bidx, idx.shape)
    return points[bidx, idx]


def _farthest_point_sample(xyz, n_samples, key):
    B, N, _ = xyz.shape
    distance = jnp.full((B, N), 1e10, dtype=xyz.dtype)
    farthest = jax.random.randint(key, (B,), 0, N)
    batch_indices = jnp.arange(B)

    def body(carry, _):
        distance, farthest = carry
        centroid = xyz[batch_indices, farthest, :][:, None, :]
        dist = jnp.sum((xyz - centroid) ** 2, -1)
        distance = jnp.where(dist < distance, dist, distance)
        new_farthest = jnp.argmax(distance, -1)
        return (distance, new_farthest), farthest

    (_, _), centroids = jax.lax.scan(body, (distance, farthest), None,
                                     length=n_samples)
    return jnp.transpose(centroids)


def _get_neighbor_index(vertices, neighbor_num):
    inner = jnp.einsum('bnd,bmd->bnm', vertices, vertices)
    quadratic = jnp.sum(vertices ** 2, axis=2)
    distance = inner * -2 + quadratic[:, None, :] + quadratic[:, :, None]
    neighbor_index = jax.lax.top_k(-distance, neighbor_num + 1)[1][:, :, 1:]
    return neighbor_index, distance


def _surface_knn(points_all, k_near, n_stepk):
    ind_neighbor_all, all_dist = _get_neighbor_index(points_all, n_stepk)
    neighbor_index_max = jnp.argmax(all_dist, axis=-1, keepdims=True)
    B, N, _ = ind_neighbor_all.shape
    K = k_near
    pad_val = jnp.int32(N)
    parent_ids = jnp.repeat(jnp.arange(K), n_stepk)
    init_neigh = jnp.concatenate(
        [ind_neighbor_all,
         jnp.full((B, N, K - n_stepk), pad_val, dtype=ind_neighbor_all.dtype)],
        axis=-1)

    def body(state):
        neigh, w, num_ita, done = state
        children = _index_points(ind_neighbor_all, neigh).reshape(B, N, K * n_stepk)
        children = jnp.where(parent_ids[None, None, :] < w, children, pad_val)
        new_neighinds = jnp.sort(children, axis=-1)
        duplicates = jnp.zeros(new_neighinds.shape, dtype=bool)
        duplicates = duplicates.at[:, :, 1:].set(
            new_neighinds[:, :, 1:] == new_neighinds[:, :, :-1])
        nimax = jnp.broadcast_to(neighbor_index_max, new_neighinds.shape)
        new_neighinds = jnp.where(duplicates, nimax, new_neighinds)
        new_neighinds = jnp.where(new_neighinds == pad_val, nimax, new_neighinds)
        dist_neighinds = jnp.take_along_axis(all_dist, new_neighinds, axis=-1)
        sort_dist = jnp.sort(dist_neighinds, axis=-1)
        L = jnp.int32(n_stepk) * w
        last_idx = jnp.full((B, N, 1), L - 1, dtype=jnp.int32)
        row_max = jnp.take_along_axis(sort_dist, last_idx, axis=-1)
        sort_dist_maxind = jnp.argmax(sort_dist == row_max, axis=-1)
        valid_raw = jnp.min(sort_dist_maxind) + 1
        is_end = valid_raw >= k_near + 1
        valid_nnear = jnp.minimum(valid_raw, k_near + 1)
        sub_neighbor_index = jax.lax.top_k(-dist_neighinds, k_near + 1)[1]
        new_neighinds = jnp.take_along_axis(new_neighinds, sub_neighbor_index,
                                            axis=-1)
        new_neighinds = jnp.where(
            jnp.arange(k_near + 1)[None, None, :] < valid_nnear,
            new_neighinds, pad_val)
        new_neighinds = new_neighinds[:, :, 1:]
        return new_neighinds, valid_nnear - 1, num_ita + 1, is_end

    def cond(state):
        _, _, num_ita, done = state
        return jnp.logical_not(done) & (num_ita < 21)

    state = (init_neigh, jnp.int32(n_stepk), jnp.int32(0), jnp.bool_(False))
    neigh, _, _, _ = jax.lax.while_loop(cond, body, state)
    return neigh



def _layer_kernel(x_ref, w_ref, b_ref, scale_ref, shift_ref, z_ref,
                  sum_ref, sq_ref, *, first):
    j = pl.program_id(0)
    x = x_ref[...]
    if not first:
        x = jnp.maximum(x * scale_ref[...][:, :1] + shift_ref[...][:, :1], 0.0)
    z = jnp.dot(w_ref[...], x, preferred_element_type=jnp.float32)
    z = z + b_ref[...][:, :1]
    z_ref[...] = z

    @pl.when(j == 0)
    def _init():
        sum_ref[...] = jnp.zeros_like(sum_ref)
        sq_ref[...] = jnp.zeros_like(sq_ref)

    sum_ref[...] += jnp.sum(z, axis=1, keepdims=True)
    sq_ref[...] += jnp.sum(z * z, axis=1, keepdims=True)


def _mlp_layer(x, w, b, scale, shift, *, first, chunk=8192):
    cin, cols = x.shape
    cout = w.shape[0]
    grid = cols // chunk
    z, s, sq = pl.pallas_call(
        functools.partial(_layer_kernel, first=first),
        grid=(grid,),
        in_specs=[
            pl.BlockSpec((cin, chunk), lambda j: (0, j)),
            pl.BlockSpec((cout, cin), lambda j: (0, 0)),
            pl.BlockSpec((cout, 1), lambda j: (0, 0)),
            pl.BlockSpec((cin, 1), lambda j: (0, 0)),
            pl.BlockSpec((cin, 1), lambda j: (0, 0)),
        ],
        out_specs=[
            pl.BlockSpec((cout, chunk), lambda j: (0, j)),
            pl.BlockSpec((cout, 1), lambda j: (0, 0)),
            pl.BlockSpec((cout, 1), lambda j: (0, 0)),
        ],
        out_shape=[
            jax.ShapeDtypeStruct((cout, cols), jnp.float32),
            jax.ShapeDtypeStruct((cout, 1), jnp.float32),
            jax.ShapeDtypeStruct((cout, 1), jnp.float32),
        ],
    )(x, w, b.reshape(-1, 1), scale.reshape(-1, 1), shift.reshape(-1, 1))
    return z, s[:, 0], sq[:, 0]


def _bn_coeffs(s, sq, n, g, be):
    mean = s / n
    var = sq / n - mean * mean
    inv = g / jnp.sqrt(var + 1e-5)
    return inv, be - mean * inv


def _final_kernel(z_ref, scale_ref, shift_ref, o_ref):
    a = jnp.maximum(z_ref[...] * scale_ref[...][:, :1] + shift_ref[...][:, :1],
                    0.0)
    c, n = a.shape
    a = a.reshape(c, N_NEAR, n // N_NEAR)
    o_ref[...] = jnp.max(a, axis=1)


def _mlp_head(new_fea_t, params):
    (W1, b1, g1, be1, W2, b2, g2, be2, W3, b3, g3, be3) = params
    cols = new_fea_t.shape[1]
    n = float(cols)
    zero67 = jnp.zeros((67,), jnp.float32)
    z1, s1, q1 = _mlp_layer(new_fea_t, W1, b1, zero67, zero67, first=True)
    sc1, sh1 = _bn_coeffs(s1, q1, n, g1, be1)
    z2, s2, q2 = _mlp_layer(z1, W2, b2, sc1, sh1, first=False)
    sc2, sh2 = _bn_coeffs(s2, q2, n, g2, be2)
    z3, s3, q3 = _mlp_layer(z2, W3, b3, sc2, sh2, first=False)
    sc3, sh3 = _bn_coeffs(s3, q3, n, g3, be3)
    B = cols // (N_NEAR * N_CENTER)
    chunk = N_NEAR * N_CENTER
    out = pl.pallas_call(
        _final_kernel,
        grid=(B,),
        in_specs=[
            pl.BlockSpec((128, chunk), lambda j: (0, j)),
            pl.BlockSpec((128, 1), lambda j: (0, 0)),
            pl.BlockSpec((128, 1), lambda j: (0, 0)),
        ],
        out_specs=pl.BlockSpec((128, N_CENTER), lambda j: (0, j)),
        out_shape=jax.ShapeDtypeStruct((128, B * N_CENTER), jnp.float32),
    )(z3, sc3.reshape(-1, 1), sh3.reshape(-1, 1))
    return out.reshape(128, B, N_CENTER).transpose(1, 0, 2)



def kernel(xyz, points, W1, b1, g1, be1, W2, b2, g2, be2, W3, b3, g3, be3):
    B = xyz.shape[0]
    xyz_t = jnp.transpose(xyz, (0, 2, 1))
    pts_t = jnp.transpose(points, (0, 2, 1))

    idx_surfknn_all = _surface_knn(xyz_t, N_NEAR, N_STEPK)
    fps_idx = _farthest_point_sample(xyz_t, N_CENTER, jax.random.key(1))
    new_xyz = _index_points(xyz_t, fps_idx)
    idx = _index_points(idx_surfknn_all, fps_idx)
    grouped_xyz = _index_points(xyz_t, idx)
    grouped_xyz_norm = grouped_xyz - new_xyz[:, :, None, :]
    grouped_fea = _index_points(pts_t, idx)
    new_fea = jnp.concatenate([grouped_xyz_norm, grouped_fea], axis=-1)

    x = new_fea.transpose(3, 0, 2, 1).reshape(67, B * N_NEAR * N_CENTER)
    params = (W1, b1, g1, be1, W2, b2, g2, be2, W3, b3, g3, be3)
    new_points = _mlp_head(x, params)
    return jnp.transpose(new_xyz, (0, 2, 1)), new_points

# --- scband reference (transcript-rebuilt; emitter-appended) ---
"""Pipeline reference for scband-sa-attention-41532333752477 (READ-ONLY COPY).

The authoritative reference and input builder live on the scoring server;
editing this copy changes nothing except your own understanding.
"""

import jax, jax.numpy as jnp
import numpy as np

N_CENTER = 512
N_NEAR = 32


def index_points(points, idx):
    B = points.shape[0]
    bidx = jnp.arange(B).reshape((B,) + (1,) * (idx.ndim - 1))
    bidx = jnp.broadcast_to(bidx, idx.shape)
    return points[bidx, idx]


def farthest_point_sample(xyz, n_samples, key):
    B, N, _ = xyz.shape
    distance = jnp.full((B, N), 1e10, dtype=xyz.dtype)
    farthest = jax.random.randint(key, (B,), 0, N)
    batch_indices = jnp.arange(B)

    def body(carry, _):
        distance, farthest = carry
        centroid = xyz[batch_indices, farthest, :][:, None, :]
        dist = jnp.sum((xyz - centroid) ** 2, -1)
        distance = jnp.where(dist < distance, dist, distance)
        new_farthest = jnp.argmax(distance, -1)
        return (distance, new_farthest), farthest

    (_, _), centroids = jax.lax.scan(body, (distance, farthest), None, length=n_samples)
    return jnp.transpose(centroids)


def get_neighbor_index(vertices, neighbor_num, is_backdis=False):
    inner = jnp.einsum('bnd,bmd->bnm', vertices, vertices)
    quadratic = jnp.sum(vertices ** 2, axis=2)
    distance = inner * -2 + quadratic[:, None, :] + quadratic[:, :, None]
    neighbor_index = jax.lax.top_k(-distance, neighbor_num + 1)[1][:, :, 1:]
    if is_backdis:
        return neighbor_index, distance
    return neighbor_index


def indexes_val(vals, inds):
    return jnp.take_along_axis(vals, inds, axis=-1)


def surface_knn(points_all, k_near=100, n_stepk=10):
    ind_neighbor_all, all_dist = get_neighbor_index(points_all, n_stepk, True)
    neighbor_index_max = jnp.argmax(all_dist, axis=-1, keepdims=True)
    B, N, _ = ind_neighbor_all.shape
    K = k_near
    pad_val = jnp.int32(N)
    parent_ids = jnp.repeat(jnp.arange(K), n_stepk)
    init_neigh = jnp.concatenate(
        [ind_neighbor_all,
         jnp.full((B, N, K - n_stepk), pad_val, dtype=ind_neighbor_all.dtype)],
        axis=-1)

    def body(state):
        neigh, w, num_ita, done = state
        children = index_points(ind_neighbor_all, neigh).reshape(B, N, K * n_stepk)
        children = jnp.where(parent_ids[None, None, :] < w, children, pad_val)
        new_neighinds = jnp.sort(children, axis=-1)
        duplicates = jnp.zeros(new_neighinds.shape, dtype=bool)
        duplicates = duplicates.at[:, :, 1:].set(new_neighinds[:, :, 1:] == new_neighinds[:, :, :-1])
        nimax = jnp.broadcast_to(neighbor_index_max, new_neighinds.shape)
        new_neighinds = jnp.where(duplicates, nimax, new_neighinds)
        new_neighinds = jnp.where(new_neighinds == pad_val, nimax, new_neighinds)
        dist_neighinds = indexes_val(all_dist, new_neighinds)
        sort_dist = jnp.sort(dist_neighinds, axis=-1)
        L = jnp.int32(n_stepk) * w
        last_idx = jnp.full((B, N, 1), L - 1, dtype=jnp.int32)
        row_max = jnp.take_along_axis(sort_dist, last_idx, axis=-1)
        sort_dist_maxind = jnp.argmax(sort_dist == row_max, axis=-1)
        valid_raw = jnp.min(sort_dist_maxind) + 1
        is_end = valid_raw >= k_near + 1
        valid_nnear = jnp.minimum(valid_raw, k_near + 1)
        sub_neighbor_index = jax.lax.top_k(-dist_neighinds, k_near + 1)[1]
        new_neighinds = indexes_val(new_neighinds, sub_neighbor_index)
        new_neighinds = jnp.where(jnp.arange(k_near + 1)[None, None, :] < valid_nnear,
                                  new_neighinds, pad_val)
        new_neighinds = new_neighinds[:, :, 1:]
        return new_neighinds, valid_nnear - 1, num_ita + 1, is_end

    def cond(state):
        _, _, num_ita, done = state
        return jnp.logical_not(done) & (num_ita < 21)

    state = (init_neigh, jnp.int32(n_stepk), jnp.int32(0), jnp.bool_(False))
    neigh, w, num_ita, done = jax.lax.while_loop(cond, body, state)
    return neigh


def sa_sample_and_group(n_center, n_near, xyz, fea, key):
    idx_surfknn_all = surface_knn(xyz, n_near, 10)
    fps_idx = farthest_point_sample(xyz, n_center, key)
    new_xyz = index_points(xyz, fps_idx)
    idx = index_points(idx_surfknn_all, fps_idx)
    grouped_xyz = index_points(xyz, idx)
    grouped_xyz_norm = grouped_xyz - new_xyz[:, :, None, :]
    grouped_fea = index_points(fea, idx)
    new_fea = jnp.concatenate([grouped_xyz_norm, grouped_fea], axis=-1)
    return new_xyz, new_fea


def mlp_block(x, W, b, g, be):
    x = jnp.einsum('oc,bcks->boks', W, x) + b[None, :, None, None]
    mean = jnp.mean(x, axis=(0, 2, 3), keepdims=True)
    var = jnp.var(x, axis=(0, 2, 3), keepdims=True)
    x = (x - mean) / jnp.sqrt(var + 1e-5) * g[None, :, None, None] + be[None, :, None, None]
    return jax.nn.relu(x)


def setup_inputs(seed: int = 0) -> dict:
    key = jax.random.key(seed)
    ks = jax.random.split(key, 8)
    B, N = 4, 2048
    xyz = jax.random.normal(ks[0], (B, 3, N), dtype=jnp.float32)
    points = jax.random.normal(ks[1], (B, 64, N), dtype=jnp.float32)
    W1 = jax.random.normal(ks[2], (64, 67), dtype=jnp.float32) * 0.1
    b1 = jnp.zeros((64,), jnp.float32)
    g1 = jnp.ones((64,), jnp.float32)
    be1 = jnp.zeros((64,), jnp.float32)
    W2 = jax.random.normal(ks[3], (64, 64), dtype=jnp.float32) * 0.1
    b2 = jnp.zeros((64,), jnp.float32)
    g2 = jnp.ones((64,), jnp.float32)
    be2 = jnp.zeros((64,), jnp.float32)
    W3 = jax.random.normal(ks[4], (128, 64), dtype=jnp.float32) * 0.1
    b3 = jnp.zeros((128,), jnp.float32)
    g3 = jnp.ones((128,), jnp.float32)
    be3 = jnp.zeros((128,), jnp.float32)
    return {'xyz': xyz, 'points': points, 'W1': W1, 'b1': b1, 'g1': g1, 'be1': be1, 'W2': W2, 'b2': b2, 'g2': g2, 'be2': be2, 'W3': W3, 'b3': b3, 'g3': g3, 'be3': be3}


def reference(xyz, points, W1, b1, g1, be1, W2, b2, g2, be2, W3, b3, g3, be3):
    xyz_t = jnp.transpose(xyz, (0, 2, 1))
    pts_t = jnp.transpose(points, (0, 2, 1))
    new_xyz, new_points = sa_sample_and_group(N_CENTER, N_NEAR, xyz_t, pts_t, jax.random.key(1))
    new_points = jnp.transpose(new_points, (0, 3, 2, 1))
    for (W, b, g, be) in [(W1, b1, g1, be1), (W2, b2, g2, be2), (W3, b3, g3, be3)]:
        new_points = mlp_block(new_points, W, b, g, be)
    new_points = jnp.max(new_points, axis=2)
    new_xyz = jnp.transpose(new_xyz, (0, 2, 1))
    return (new_xyz, new_points)

if __name__ == "__main__":
    import jax
    _d = setup_inputs()
    print(jax.jit(kernel)(*tuple(_d.values())))

</pallas_src>

<mosaic_0001>
module attributes {stable_mosaic.version = 14 : i64} {
  func.func @_layer_kernel(%arg0: i32, %arg1: memref<67x8192xf32, #tpu.memory_space<vmem>>, %arg2: memref<64x67xf32, #tpu.memory_space<vmem>>, %arg3: memref<64x1xf32, #tpu.memory_space<vmem>>, %arg4: memref<67x1xf32, #tpu.memory_space<vmem>>, %arg5: memref<67x1xf32, #tpu.memory_space<vmem>>, %arg6: memref<64x8192xf32, #tpu.memory_space<vmem>>, %arg7: memref<64x1xf32, #tpu.memory_space<vmem>>, %arg8: memref<64x1xf32, #tpu.memory_space<vmem>>) attributes {dimension_semantics = [#tpu.dimension_semantics<arbitrary>], iteration_bounds = array<i64: 8>, scalar_prefetch = 0 : i64, scratch_operands = 0 : i64, tpu.core_type = #tpu.core_type<tc>, window_params = [{transform_indices = @transform_0, window_bounds = array<i64: 67, 8192>}, {pipeline_mode = #tpu.pipeline_mode<synchronous>, transform_indices = @transform_1, window_bounds = array<i64: 64, 67>}, {pipeline_mode = #tpu.pipeline_mode<synchronous>, transform_indices = @transform_2, window_bounds = array<i64: 64, 1>}, {pipeline_mode = #tpu.pipeline_mode<synchronous>, transform_indices = @transform_3, window_bounds = array<i64: 67, 1>}, {pipeline_mode = #tpu.pipeline_mode<synchronous>, transform_indices = @transform_4, window_bounds = array<i64: 67, 1>}, {transform_indices = @transform_5, window_bounds = array<i64: 64, 8192>}, {pipeline_mode = #tpu.pipeline_mode<synchronous>, transform_indices = @transform_6, window_bounds = array<i64: 64, 1>}, {pipeline_mode = #tpu.pipeline_mode<synchronous>, transform_indices = @transform_7, window_bounds = array<i64: 64, 1>}]} {
    %get3A = arith.constant 0 : index
    %get3A_0 = arith.constant 0 : index
    %get3A_1 = vector.load %arg1[%get3A, %get3A_0] : memref<67x8192xf32, #tpu.memory_space<vmem>>, vector<67x8192xf32>
    %get3A_2 = arith.constant 0 : index
    %get3A_3 = arith.constant 0 : index
    %get3A_4 = vector.load %arg2[%get3A_2, %get3A_3] : memref<64x67xf32, #tpu.memory_space<vmem>>, vector<64x67xf32>
    %dot_general3A = arith.constant dense<0.000000e+00> : vector<64x8192xf32>
    %dot_general3A_5 = tpu.matmul %get3A_4, %get3A_1, %dot_general3A {dimension_numbers = #tpu.dot_dimension_numbers<[1], [0], [0], [1], [0, 0, 1, 1], [], []>, transpose_lhs_hint = false} : vector<64x67xf32>, vector<67x8192xf32>, vector<64x8192xf32> -> vector<64x8192xf32>
    %get3A_6 = arith.constant 0 : index
    %get3A_7 = arith.constant 0 : index
    %get3A_8 = vector.load %arg3[%get3A_6, %get3A_7] : memref<64x1xf32, #tpu.memory_space<vmem>>, vector<64x1xf32>
    %add3A = vector.broadcast %get3A_8 : vector<64x1xf32> to vector<64x8192xf32>
    %add3A_9 = arith.addf %dot_general3A_5, %add3A : vector<64x8192xf32>
    %swap3A = arith.constant 0 : index
    %swap3A_10 = arith.constant 0 : index
    %swap3A_11 = vector.load %arg6[%swap3A, %swap3A_10] : memref<64x8192xf32, #tpu.memory_space<vmem>>, vector<64x8192xf32>
    tpu.vector_store %arg6[%swap3A, %swap3A_10], %add3A_9 {strides = array<i32>} : memref<64x8192xf32, #tpu.memory_space<vmem>>, vector<64x8192xf32>,
    %eq3A = arith.constant 0 : i32
    %eq3A_12 = arith.cmpi eq, %arg0, %eq3A : i32
    %convert_element_type3A = arith.extui %eq3A_12 : i1 to i32
    %cond3A = arith.constant 0 : i32
    %cond3A_13 = arith.cmpi ne, %convert_element_type3A, %cond3A : i32
    scf.if %cond3A_13 {
      %broadcast_in_dim3A_32 = arith.constant 0.000000e+00 : f32
      %broadcast_in_dim3A_33 = vector.broadcast %broadcast_in_dim3A_32 : f32 to vector<64x1xf32>
      %swap3A_34 = arith.constant 0 : index
      %swap3A_35 = arith.constant 0 : index
      %swap3A_36 = vector.load %arg7[%swap3A_34, %swap3A_35] : memref<64x1xf32, #tpu.memory_space<vmem>>, vector<64x1xf32>
      tpu.vector_store %arg7[%swap3A_34, %swap3A_35], %broadcast_in_dim3A_33 {strides = array<i32>} : memref<64x1xf32, #tpu.memory_space<vmem>>, vector<64x1xf32>,
      %broadcast_in_dim3A_37 = arith.constant 0.000000e+00 : f32
      %broadcast_in_dim3A_38 = vector.broadcast %broadcast_in_dim3A_37 : f32 to vector<64x1xf32>
      %swap3A_39 = arith.constant 0 : index
      %swap3A_40 = arith.constant 0 : index
      %swap3A_41 = vector.load %arg8[%swap3A_39, %swap3A_40] : memref<64x1xf32, #tpu.memory_space<vmem>>, vector<64x1xf32>
      tpu.vector_store %arg8[%swap3A_39, %swap3A_40], %broadcast_in_dim3A_38 {strides = array<i32>} : memref<64x1xf32, #tpu.memory_space<vmem>>, vector<64x1xf32>,
    } else {
    }
    %get3A_14 = arith.constant 0 : index
    %get3A_15 = arith.constant 0 : index
    %get3A_16 = vector.load %arg7[%get3A_14, %get3A_15] : memref<64x1xf32, #tpu.memory_space<vmem>>, vector<64x1xf32>
    %reduce_sum3A = arith.constant dense<0.000000e+00> : vector<64xf32>
    %reduce_sum3A_17 = vector.multi_reduction <add>, %add3A_9, %reduce_sum3A [1] : vector<64x8192xf32> to vector<64xf32>
    %broadcast_in_dim3A = vector.shape_cast %reduce_sum3A_17 : vector<64xf32> to vector<64x1xf32>
    %add3A_18 = arith.addf %get3A_16, %broadcast_in_dim3A : vector<64x1xf32>
    %swap3A_19 = arith.constant 0 : index
    %swap3A_20 = arith.constant 0 : index
    %swap3A_21 = vector.load %arg7[%swap3A_19, %swap3A_20] : memref<64x1xf32, #tpu.memory_space<vmem>>, vector<64x1xf32>
    tpu.vector_store %arg7[%swap3A_19, %swap3A_20], %add3A_18 {strides = array<i32>} : memref<64x1xf32, #tpu.memory_space<vmem>>, vector<64x1xf32>,
    %get3A_22 = arith.constant 0 : index
    %get3A_23 = arith.constant 0 : index
    %get3A_24 = vector.load %arg8[%get3A_22, %get3A_23] : memref<64x1xf32, #tpu.memory_space<vmem>>, vector<64x1xf32>
    %mul3A = arith.mulf %add3A_9, %add3A_9 : vector<64x8192xf32>
    %reduce_sum3A_25 = arith.constant dense<0.000000e+00> : vector<64xf32>
    %reduce_sum3A_26 = vector.multi_reduction <add>, %mul3A, %reduce_sum3A_25 [1] : vector<64x8192xf32> to vector<64xf32>
    %broadcast_in_dim3A_27 = vector.shape_cast %reduce_sum3A_26 : vector<64xf32> to vector<64x1xf32>
    %add3A_28 = arith.addf %get3A_24, %broadcast_in_dim3A_27 : vector<64x1xf32>
    %swap3A_29 = arith.constant 0 : index
    %swap3A_30 = arith.constant 0 : index
    %swap3A_31 = vector.load %arg8[%swap3A_29, %swap3A_30] : memref<64x1xf32, #tpu.memory_space<vmem>>, vector<64x1xf32>
    tpu.vector_store %arg8[%swap3A_29, %swap3A_30], %add3A_28 {strides = array<i32>} : memref<64x1xf32, #tpu.memory_space<vmem>>, vector<64x1xf32>,
    return
  }
  func.func @transform_0(%arg0: i32) -> (i32, i32) {
    %c0_i32 = arith.constant 0 : i32
    %c0_i32_0 = arith.constant 0 : i32
    return %c0_i32, %arg0 : i32, i32
  }
  func.func @transform_1(%arg0: i32) -> (i32, i32) {
    %c0_i32 = arith.constant 0 : i32
    %c0_i32_0 = arith.constant 0 : i32
    %c0_i32_1 = arith.constant 0 : i32
    return %c0_i32, %c0_i32_0 : i32, i32
  }
  func.func @transform_2(%arg0: i32) -> (i32, i32) {
    %c0_i32 = arith.constant 0 : i32
    %c0_i32_0 = arith.constant 0 : i32
    %c0_i32_1 = arith.constant 0 : i32
    return %c0_i32, %c0_i32_0 : i32, i32
  }
  func.func @transform_3(%arg0: i32) -> (i32, i32) {
    %c0_i32 = arith.constant 0 : i32
    %c0_i32_0 = arith.constant 0 : i32
    %c0_i32_1 = arith.constant 0 : i32
    return %c0_i32, %c0_i32_0 : i32, i32
  }
  func.func @transform_4(%arg0: i32) -> (i32, i32) {
    %c0_i32 = arith.constant 0 : i32
    %c0_i32_0 = arith.constant 0 : i32
    %c0_i32_1 = arith.constant 0 : i32
    return %c0_i32, %c0_i32_0 : i32, i32
  }
  func.func @transform_5(%arg0: i32) -> (i32, i32) {
    %c0_i32 = arith.constant 0 : i32
    %c0_i32_0 = arith.constant 0 : i32
    return %c0_i32, %arg0 : i32, i32
  }
  func.func @transform_6(%arg0: i32) -> (i32, i32) {
    %c0_i32 = arith.constant 0 : i32
    %c0_i32_0 = arith.constant 0 : i32
    %c0_i32_1 = arith.constant 0 : i32
    return %c0_i32, %c0_i32_0 : i32, i32
  }
  func.func @transform_7(%arg0: i32) -> (i32, i32) {
    %c0_i32 = arith.constant 0 : i32
    %c0_i32_0 = arith.constant 0 : i32
    %c0_i32_1 = arith.constant 0 : i32
    return %c0_i32, %c0_i32_0 : i32, i32
  }
}

module attributes {stable_mosaic.version = 14 : i64} {
  func.func @_layer_kernel(%arg0: i32, %arg1: memref<64x8192xf32, #tpu.memory_space<vmem>>, %arg2: memref<64x64xf32, #tpu.memory_space<vmem>>, %arg3: memref<64x1xf32, #tpu.memory_space<vmem>>, %arg4: memref<64x1xf32, #tpu.memory_space<vmem>>, %arg5: memref<64x1xf32, #tpu.memory_space<vmem>>, %arg6: memref<64x8192xf32, #tpu.memory_space<vmem>>, %arg7: memref<64x1xf32, #tpu.memory_space<vmem>>, %arg8: memref<64x1xf32, #tpu.memory_space<vmem>>) attributes {dimension_semantics = [#tpu.dimension_semantics<arbitrary>], iteration_bounds = array<i64: 8>, scalar_prefetch = 0 : i64, scratch_operands = 0 : i64, tpu.core_type = #tpu.core_type<tc>, window_params = [{transform_indices = @transform_0, window_bounds = array<i64: 64, 8192>}, {pipeline_mode = #tpu.pipeline_mode<synchronous>, transform_indices = @transform_1, window_bounds = array<i64: 64, 64>}, {pipeline_mode = #tpu.pipeline_mode<synchronous>, transform_indices = @transform_2, window_bounds = array<i64: 64, 1>}, {pipeline_mode = #tpu.pipeline_mode<synchronous>, transform_indices = @transform_3, window_bounds = array<i64: 64, 1>}, {pipeline_mode = #tpu.pipeline_mode<synchronous>, transform_indices = @transform_4, window_bounds = array<i64: 64, 1>}, {transform_indices = @transform_5, window_bounds = array<i64: 64, 8192>}, {pipeline_mode = #tpu.pipeline_mode<synchronous>, transform_indices = @transform_6, window_bounds = array<i64: 64, 1>}, {pipeline_mode = #tpu.pipeline_mode<synchronous>, transform_indices = @transform_7, window_bounds = array<i64: 64, 1>}]} {
    %get3A = arith.constant 0 : index
    %get3A_0 = arith.constant 0 : index
    %get3A_1 = vector.load %arg1[%get3A, %get3A_0] : memref<64x8192xf32, #tpu.memory_space<vmem>>, vector<64x8192xf32>
    %get3A_2 = arith.constant 0 : index
    %get3A_3 = arith.constant 0 : index
    %get3A_4 = vector.load %arg4[%get3A_2, %get3A_3] : memref<64x1xf32, #tpu.memory_space<vmem>>, vector<64x1xf32>
    %mul3A = vector.broadcast %get3A_4 : vector<64x1xf32> to vector<64x8192xf32>
    %mul3A_5 = arith.mulf %get3A_1, %mul3A : vector<64x8192xf32>
    %get3A_6 = arith.constant 0 : index
    %get3A_7 = arith.constant 0 : index
    %get3A_8 = vector.load %arg5[%get3A_6, %get3A_7] : memref<64x1xf32, #tpu.memory_space<vmem>>, vector<64x1xf32>
    %add3A = vector.broadcast %get3A_8 : vector<64x1xf32> to vector<64x8192xf32>
    %add3A_9 = arith.addf %mul3A_5, %add3A : vector<64x8192xf32>
    %max3A = arith.constant 0.000000e+00 : f32
    %max3A_10 = vector.broadcast %max3A : f32 to vector<64x8192xf32>
    %max3A_11 = arith.maximumf %add3A_9, %max3A_10 : vector<64x8192xf32>
    %get3A_12 = arith.constant 0 : index
    %get3A_13 = arith.constant 0 : index
    %get3A_14 = vector.load %arg2[%get3A_12, %get3A_13] : memref<64x64xf32, #tpu.memory_space<vmem>>, vector<64x64xf32>
    %dot_general3A = arith.constant dense<0.000000e+00> : vector<64x8192xf32>
    %dot_general3A_15 = tpu.matmul %get3A_14, %max3A_11, %dot_general3A {dimension_numbers = #tpu.dot_dimension_numbers<[1], [0], [0], [1], [0, 0, 1, 1], [], []>, transpose_lhs_hint = false} : vector<64x64xf32>, vector<64x8192xf32>, vector<64x8192xf32> -> vector<64x8192xf32>
    %get3A_16 = arith.constant 0 : index
    %get3A_17 = arith.constant 0 : index
    %get3A_18 = vector.load %arg3[%get3A_16, %get3A_17] : memref<64x1xf32, #tpu.memory_space<vmem>>, vector<64x1xf32>
    %add3A_19 = vector.broadcast %get3A_18 : vector<64x1xf32> to vector<64x8192xf32>
    %add3A_20 = arith.addf %dot_general3A_15, %add3A_19 : vector<64x8192xf32>
    %swap3A = arith.constant 0 : index
    %swap3A_21 = arith.constant 0 : index
    %swap3A_22 = vector.load %arg6[%swap3A, %swap3A_21] : memref<64x8192xf32, #tpu.memory_space<vmem>>, vector<64x8192xf32>
    tpu.vector_store %arg6[%swap3A, %swap3A_21], %add3A_20 {strides = array<i32>} : memref<64x8192xf32, #tpu.memory_space<vmem>>, vector<64x8192xf32>,
    %eq3A = arith.constant 0 : i32
    %eq3A_23 = arith.cmpi eq, %arg0, %eq3A : i32
    %convert_element_type3A = arith.extui %eq3A_23 : i1 to i32
    %cond3A = arith.constant 0 : i32
    %cond3A_24 = arith.cmpi ne, %convert_element_type3A, %cond3A : i32
    scf.if %cond3A_24 {
      %broadcast_in_dim3A_44 = arith.constant 0.000000e+00 : f32
      %broadcast_in_dim3A_45 = vector.broadcast %broadcast_in_dim3A_44 : f32 to vector<64x1xf32>
      %swap3A_46 = arith.constant 0 : index
      %swap3A_47 = arith.constant 0 : index
      %swap3A_48 = vector.load %arg7[%swap3A_46, %swap3A_47] : memref<64x1xf32, #tpu.memory_space<vmem>>, vector<64x1xf32>
      tpu.vector_store %arg7[%swap3A_46, %swap3A_47], %broadcast_in_dim3A_45 {strides = array<i32>} : memref<64x1xf32, #tpu.memory_space<vmem>>, vector<64x1xf32>,
      %broadcast_in_dim3A_49 = arith.constant 0.000000e+00 : f32
      %broadcast_in_dim3A_50 = vector.broadcast %broadcast_in_dim3A_49 : f32 to vector<64x1xf32>
      %swap3A_51 = arith.constant 0 : index
      %swap3A_52 = arith.constant 0 : index
      %swap3A_53 = vector.load %arg8[%swap3A_51, %swap3A_52] : memref<64x1xf32, #tpu.memory_space<vmem>>, vector<64x1xf32>
      tpu.vector_store %arg8[%swap3A_51, %swap3A_52], %broadcast_in_dim3A_50 {strides = array<i32>} : memref<64x1xf32, #tpu.memory_space<vmem>>, vector<64x1xf32>,
    } else {
    }
    %get3A_25 = arith.constant 0 : index
    %get3A_26 = arith.constant 0 : index
    %get3A_27 = vector.load %arg7[%get3A_25, %get3A_26] : memref<64x1xf32, #tpu.memory_space<vmem>>, vector<64x1xf32>
    %reduce_sum3A = arith.constant dense<0.000000e+00> : vector<64xf32>
    %reduce_sum3A_28 = vector.multi_reduction <add>, %add3A_20, %reduce_sum3A [1] : vector<64x8192xf32> to vector<64xf32>
    %broadcast_in_dim3A = vector.shape_cast %reduce_sum3A_28 : vector<64xf32> to vector<64x1xf32>
    %add3A_29 = arith.addf %get3A_27, %broadcast_in_dim3A : vector<64x1xf32>
    %swap3A_30 = arith.constant 0 : index
    %swap3A_31 = arith.constant 0 : index
    %swap3A_32 = vector.load %arg7[%swap3A_30, %swap3A_31] : memref<64x1xf32, #tpu.memory_space<vmem>>, vector<64x1xf32>
    tpu.vector_store %arg7[%swap3A_30, %swap3A_31], %add3A_29 {strides = array<i32>} : memref<64x1xf32, #tpu.memory_space<vmem>>, vector<64x1xf32>,
    %get3A_33 = arith.constant 0 : index
    %get3A_34 = arith.constant 0 : index
    %get3A_35 = vector.load %arg8[%get3A_33, %get3A_34] : memref<64x1xf32, #tpu.memory_space<vmem>>, vector<64x1xf32>
    %mul3A_36 = arith.mulf %add3A_20, %add3A_20 : vector<64x8192xf32>
    %reduce_sum3A_37 = arith.constant dense<0.000000e+00> : vector<64xf32>
    %reduce_sum3A_38 = vector.multi_reduction <add>, %mul3A_36, %reduce_sum3A_37 [1] : vector<64x8192xf32> to vector<64xf32>
    %broadcast_in_dim3A_39 = vector.shape_cast %reduce_sum3A_38 : vector<64xf32> to vector<64x1xf32>
    %add3A_40 = arith.addf %get3A_35, %broadcast_in_dim3A_39 : vector<64x1xf32>
    %swap3A_41 = arith.constant 0 : index
    %swap3A_42 = arith.constant 0 : index
    %swap3A_43 = vector.load %arg8[%swap3A_41, %swap3A_42] : memref<64x1xf32, #tpu.memory_space<vmem>>, vector<64x1xf32>
    tpu.vector_store %arg8[%swap3A_41, %swap3A_42], %add3A_40 {strides = array<i32>} : memref<64x1xf32, #tpu.memory_space<vmem>>, vector<64x1xf32>,
    return
  }
  func.func @transform_0(%arg0: i32) -> (i32, i32) {
    %c0_i32 = arith.constant 0 : i32
    %c0_i32_0 = arith.constant 0 : i32
    return %c0_i32, %arg0 : i32, i32
  }
  func.func @transform_1(%arg0: i32) -> (i32, i32) {
    %c0_i32 = arith.constant 0 : i32
    %c0_i32_0 = arith.constant 0 : i32
    %c0_i32_1 = arith.constant 0 : i32
    return %c0_i32, %c0_i32_0 : i32, i32
  }
  func.func @transform_2(%arg0: i32) -> (i32, i32) {
    %c0_i32 = arith.constant 0 : i32
    %c0_i32_0 = arith.constant 0 : i32
    %c0_i32_1 = arith.constant 0 : i32
    return %c0_i32, %c0_i32_0 : i32, i32
  }
  func.func @transform_3(%arg0: i32) -> (i32, i32) {
    %c0_i32 = arith.constant 0 : i32
    %c0_i32_0 = arith.constant 0 : i32
    %c0_i32_1 = arith.constant 0 : i32
    return %c0_i32, %c0_i32_0 : i32, i32
  }
  func.func @transform_4(%arg0: i32) -> (i32, i32) {
    %c0_i32 = arith.constant 0 : i32
    %c0_i32_0 = arith.constant 0 : i32
    %c0_i32_1 = arith.constant 0 : i32
    return %c0_i32, %c0_i32_0 : i32, i32
  }
  func.func @transform_5(%arg0: i32) -> (i32, i32) {
    %c0_i32 = arith.constant 0 : i32
    %c0_i32_0 = arith.constant 0 : i32
    return %c0_i32, %arg0 : i32, i32
  }
  func.func @transform_6(%arg0: i32) -> (i32, i32) {
    %c0_i32 = arith.constant 0 : i32
    %c0_i32_0 = arith.constant 0 : i32
    %c0_i32_1 = arith.constant 0 : i32
    return %c0_i32, %c0_i32_0 : i32, i32
  }
  func.func @transform_7(%arg0: i32) -> (i32, i32) {
    %c0_i32 = arith.constant 0 : i32
    %c0_i32_0 = arith.constant 0 : i32
    %c0_i32_1 = arith.constant 0 : i32
    return %c0_i32, %c0_i32_0 : i32, i32
  }
}

module attributes {stable_mosaic.version = 14 : i64} {
  func.func @_layer_kernel(%arg0: i32, %arg1: memref<64x8192xf32, #tpu.memory_space<vmem>>, %arg2: memref<128x64xf32, #tpu.memory_space<vmem>>, %arg3: memref<128x1xf32, #tpu.memory_space<vmem>>, %arg4: memref<64x1xf32, #tpu.memory_space<vmem>>, %arg5: memref<64x1xf32, #tpu.memory_space<vmem>>, %arg6: memref<128x8192xf32, #tpu.memory_space<vmem>>, %arg7: memref<128x1xf32, #tpu.memory_space<vmem>>, %arg8: memref<128x1xf32, #tpu.memory_space<vmem>>) attributes {dimension_semantics = [#tpu.dimension_semantics<arbitrary>], iteration_bounds = array<i64: 8>, scalar_prefetch = 0 : i64, scratch_operands = 0 : i64, tpu.core_type = #tpu.core_type<tc>, window_params = [{transform_indices = @transform_0, window_bounds = array<i64: 64, 8192>}, {pipeline_mode = #tpu.pipeline_mode<synchronous>, transform_indices = @transform_1, window_bounds = array<i64: 128, 64>}, {pipeline_mode = #tpu.pipeline_mode<synchronous>, transform_indices = @transform_2, window_bounds = array<i64: 128, 1>}, {pipeline_mode = #tpu.pipeline_mode<synchronous>, transform_indices = @transform_3, window_bounds = array<i64: 64, 1>}, {pipeline_mode = #tpu.pipeline_mode<synchronous>, transform_indices = @transform_4, window_bounds = array<i64: 64, 1>}, {transform_indices = @transform_5, window_bounds = array<i64: 128, 8192>}, {pipeline_mode = #tpu.pipeline_mode<synchronous>, transform_indices = @transform_6, window_bounds = array<i64: 128, 1>}, {pipeline_mode = #tpu.pipeline_mode<synchronous>, transform_indices = @transform_7, window_bounds = array<i64: 128, 1>}]} {
    %get3A = arith.constant 0 : index
    %get3A_0 = arith.constant 0 : index
    %get3A_1 = vector.load %arg1[%get3A, %get3A_0] : memref<64x8192xf32, #tpu.memory_space<vmem>>, vector<64x8192xf32>
    %get3A_2 = arith.constant 0 : index
    %get3A_3 = arith.constant 0 : index
    %get3A_4 = vector.load %arg4[%get3A_2, %get3A_3] : memref<64x1xf32, #tpu.memory_space<vmem>>, vector<64x1xf32>
    %mul3A = vector.broadcast %get3A_4 : vector<64x1xf32> to vector<64x8192xf32>
    %mul3A_5 = arith.mulf %get3A_1, %mul3A : vector<64x8192xf32>
    %get3A_6 = arith.constant 0 : index
    %get3A_7 = arith.constant 0 : index
    %get3A_8 = vector.load %arg5[%get3A_6, %get3A_7] : memref<64x1xf32, #tpu.memory_space<vmem>>, vector<64x1xf32>
    %add3A = vector.broadcast %get3A_8 : vector<64x1xf32> to vector<64x8192xf32>
    %add3A_9 = arith.addf %mul3A_5, %add3A : vector<64x8192xf32>
    %max3A = arith.constant 0.000000e+00 : f32
    %max3A_10 = vector.broadcast %max3A : f32 to vector<64x8192xf32>
    %max3A_11 = arith.maximumf %add3A_9, %max3A_10 : vector<64x8192xf32>
    %get3A_12 = arith.constant 0 : index
    %get3A_13 = arith.constant 0 : index
    %get3A_14 = vector.load %arg2[%get3A_12, %get3A_13] : memref<128x64xf32, #tpu.memory_space<vmem>>, vector<128x64xf32>
    %dot_general3A = arith.constant dense<0.000000e+00> : vector<128x8192xf32>
    %dot_general3A_15 = tpu.matmul %get3A_14, %max3A_11, %dot_general3A {dimension_numbers = #tpu.dot_dimension_numbers<[1], [0], [0], [1], [0, 0, 1, 1], [], []>, transpose_lhs_hint = false} : vector<128x64xf32>, vector<64x8192xf32>, vector<128x8192xf32> -> vector<128x8192xf32>
    %get3A_16 = arith.constant 0 : index
    %get3A_17 = arith.constant 0 : index
    %get3A_18 = vector.load %arg3[%get3A_16, %get3A_17] : memref<128x1xf32, #tpu.memory_space<vmem>>, vector<128x1xf32>
    %add3A_19 = vector.broadcast %get3A_18 : vector<128x1xf32> to vector<128x8192xf32>
    %add3A_20 = arith.addf %dot_general3A_15, %add3A_19 : vector<128x8192xf32>
    %swap3A = arith.constant 0 : index
    %swap3A_21 = arith.constant 0 : index
    %swap3A_22 = vector.load %arg6[%swap3A, %swap3A_21] : memref<128x8192xf32, #tpu.memory_space<vmem>>, vector<128x8192xf32>
    tpu.vector_store %arg6[%swap3A, %swap3A_21], %add3A_20 {strides = array<i32>} : memref<128x8192xf32, #tpu.memory_space<vmem>>, vector<128x8192xf32>,
    %eq3A = arith.constant 0 : i32
    %eq3A_23 = arith.cmpi eq, %arg0, %eq3A : i32
    %convert_element_type3A = arith.extui %eq3A_23 : i1 to i32
    %cond3A = arith.constant 0 : i32
    %cond3A_24 = arith.cmpi ne, %convert_element_type3A, %cond3A : i32
    scf.if %cond3A_24 {
      %broadcast_in_dim3A_44 = arith.constant 0.000000e+00 : f32
      %broadcast_in_dim3A_45 = vector.broadcast %broadcast_in_dim3A_44 : f32 to vector<128x1xf32>
      %swap3A_46 = arith.constant 0 : index
      %swap3A_47 = arith.constant 0 : index
      %swap3A_48 = vector.load %arg7[%swap3A_46, %swap3A_47] : memref<128x1xf32, #tpu.memory_space<vmem>>, vector<128x1xf32>
      tpu.vector_store %arg7[%swap3A_46, %swap3A_47], %broadcast_in_dim3A_45 {strides = array<i32>} : memref<128x1xf32, #tpu.memory_space<vmem>>, vector<128x1xf32>,
      %broadcast_in_dim3A_49 = arith.constant 0.000000e+00 : f32
      %broadcast_in_dim3A_50 = vector.broadcast %broadcast_in_dim3A_49 : f32 to vector<128x1xf32>
      %swap3A_51 = arith.constant 0 : index
      %swap3A_52 = arith.constant 0 : index
      %swap3A_53 = vector.load %arg8[%swap3A_51, %swap3A_52] : memref<128x1xf32, #tpu.memory_space<vmem>>, vector<128x1xf32>
      tpu.vector_store %arg8[%swap3A_51, %swap3A_52], %broadcast_in_dim3A_50 {strides = array<i32>} : memref<128x1xf32, #tpu.memory_space<vmem>>, vector<128x1xf32>,
    } else {
    }
    %get3A_25 = arith.constant 0 : index
    %get3A_26 = arith.constant 0 : index
    %get3A_27 = vector.load %arg7[%get3A_25, %get3A_26] : memref<128x1xf32, #tpu.memory_space<vmem>>, vector<128x1xf32>
    %reduce_sum3A = arith.constant dense<0.000000e+00> : vector<128xf32>
    %reduce_sum3A_28 = vector.multi_reduction <add>, %add3A_20, %reduce_sum3A [1] : vector<128x8192xf32> to vector<128xf32>
    %broadcast_in_dim3A = vector.shape_cast %reduce_sum3A_28 : vector<128xf32> to vector<128x1xf32>
    %add3A_29 = arith.addf %get3A_27, %broadcast_in_dim3A : vector<128x1xf32>
    %swap3A_30 = arith.constant 0 : index
    %swap3A_31 = arith.constant 0 : index
    %swap3A_32 = vector.load %arg7[%swap3A_30, %swap3A_31] : memref<128x1xf32, #tpu.memory_space<vmem>>, vector<128x1xf32>
    tpu.vector_store %arg7[%swap3A_30, %swap3A_31], %add3A_29 {strides = array<i32>} : memref<128x1xf32, #tpu.memory_space<vmem>>, vector<128x1xf32>,
    %get3A_33 = arith.constant 0 : index
    %get3A_34 = arith.constant 0 : index
    %get3A_35 = vector.load %arg8[%get3A_33, %get3A_34] : memref<128x1xf32, #tpu.memory_space<vmem>>, vector<128x1xf32>
    %mul3A_36 = arith.mulf %add3A_20, %add3A_20 : vector<128x8192xf32>
    %reduce_sum3A_37 = arith.constant dense<0.000000e+00> : vector<128xf32>
    %reduce_sum3A_38 = vector.multi_reduction <add>, %mul3A_36, %reduce_sum3A_37 [1] : vector<128x8192xf32> to vector<128xf32>
    %broadcast_in_dim3A_39 = vector.shape_cast %reduce_sum3A_38 : vector<128xf32> to vector<128x1xf32>
    %add3A_40 = arith.addf %get3A_35, %broadcast_in_dim3A_39 : vector<128x1xf32>
    %swap3A_41 = arith.constant 0 : index
    %swap3A_42 = arith.constant 0 : index
    %swap3A_43 = vector.load %arg8[%swap3A_41, %swap3A_42] : memref<128x1xf32, #tpu.memory_space<vmem>>, vector<128x1xf32>
    tpu.vector_store %arg8[%swap3A_41, %swap3A_42], %add3A_40 {strides = array<i32>} : memref<128x1xf32, #tpu.memory_space<vmem>>, vector<128x1xf32>,
    return
  }
  func.func @transform_0(%arg0: i32) -> (i32, i32) {
    %c0_i32 = arith.constant 0 : i32
    %c0_i32_0 = arith.constant 0 : i32
    return %c0_i32, %arg0 : i32, i32
  }
  func.func @transform_1(%arg0: i32) -> (i32, i32) {
    %c0_i32 = arith.constant 0 : i32
    %c0_i32_0 = arith.constant 0 : i32
    %c0_i32_1 = arith.constant 0 : i32
    return %c0_i32, %c0_i32_0 : i32, i32
  }
  func.func @transform_2(%arg0: i32) -> (i32, i32) {
    %c0_i32 = arith.constant 0 : i32
    %c0_i32_0 = arith.constant 0 : i32
    %c0_i32_1 = arith.constant 0 : i32
    return %c0_i32, %c0_i32_0 : i32, i32
  }
  func.func @transform_3(%arg0: i32) -> (i32, i32) {
    %c0_i32 = arith.constant 0 : i32
    %c0_i32_0 = arith.constant 0 : i32
    %c0_i32_1 = arith.constant 0 : i32
    return %c0_i32, %c0_i32_0 : i32, i32
  }
  func.func @transform_4(%arg0: i32) -> (i32, i32) {
    %c0_i32 = arith.constant 0 : i32
    %c0_i32_0 = arith.constant 0 : i32
    %c0_i32_1 = arith.constant 0 : i32
    return %c0_i32, %c0_i32_0 : i32, i32
  }
  func.func @transform_5(%arg0: i32) -> (i32, i32) {
    %c0_i32 = arith.constant 0 : i32
    %c0_i32_0 = arith.constant 0 : i32
    return %c0_i32, %arg0 : i32, i32
  }
  func.func @transform_6(%arg0: i32) -> (i32, i32) {
    %c0_i32 = arith.constant 0 : i32
    %c0_i32_0 = arith.constant 0 : i32
    %c0_i32_1 = arith.constant 0 : i32
    return %c0_i32, %c0_i32_0 : i32, i32
  }
  func.func @transform_7(%arg0: i32) -> (i32, i32) {
    %c0_i32 = arith.constant 0 : i32
    %c0_i32_0 = arith.constant 0 : i32
    %c0_i32_1 = arith.constant 0 : i32
    return %c0_i32, %c0_i32_0 : i32, i32
  }
}

module attributes {stable_mosaic.version = 14 : i64} {
  func.func @_final_kernel(%arg0: i32, %arg1: memref<128x16384xf32, #tpu.memory_space<vmem>>, %arg2: memref<128x1xf32, #tpu.memory_space<vmem>>, %arg3: memref<128x1xf32, #tpu.memory_space<vmem>>, %arg4: memref<128x512xf32, #tpu.memory_space<vmem>>) attributes {dimension_semantics = [#tpu.dimension_semantics<arbitrary>], iteration_bounds = array<i64: 4>, scalar_prefetch = 0 : i64, scratch_operands = 0 : i64, tpu.core_type = #tpu.core_type<tc>, window_params = [{transform_indices = @transform_0, window_bounds = array<i64: 128, 16384>}, {pipeline_mode = #tpu.pipeline_mode<synchronous>, transform_indices = @transform_1, window_bounds = array<i64: 128, 1>}, {pipeline_mode = #tpu.pipeline_mode<synchronous>, transform_indices = @transform_2, window_bounds = array<i64: 128, 1>}, {transform_indices = @transform_3, window_bounds = array<i64: 128, 512>}]} {
    %get3A = arith.constant 0 : index
    %get3A_0 = arith.constant 0 : index
    %get3A_1 = vector.load %arg1[%get3A, %get3A_0] : memref<128x16384xf32, #tpu.memory_space<vmem>>, vector<128x16384xf32>
    %get3A_2 = arith.constant 0 : index
    %get3A_3 = arith.constant 0 : index
    %get3A_4 = vector.load %arg2[%get3A_2, %get3A_3] : memref<128x1xf32, #tpu.memory_space<vmem>>, vector<128x1xf32>
    %mul3A = vector.broadcast %get3A_4 : vector<128x1xf32> to vector<128x16384xf32>
    %mul3A_5 = arith.mulf %get3A_1, %mul3A : vector<128x16384xf32>
    %get3A_6 = arith.constant 0 : index
    %get3A_7 = arith.constant 0 : index
    %get3A_8 = vector.load %arg3[%get3A_6, %get3A_7] : memref<128x1xf32, #tpu.memory_space<vmem>>, vector<128x1xf32>
    %add3A = vector.broadcast %get3A_8 : vector<128x1xf32> to vector<128x16384xf32>
    %add3A_9 = arith.addf %mul3A_5, %add3A : vector<128x16384xf32>
    %max3A = arith.constant 0.000000e+00 : f32
    %max3A_10 = vector.broadcast %max3A : f32 to vector<128x16384xf32>
    %max3A_11 = arith.maximumf %add3A_9, %max3A_10 : vector<128x16384xf32>
    %reshape3A = vector.shape_cast %max3A_11 : vector<128x16384xf32> to vector<128x32x512xf32>
    %reduce_max3A = arith.constant dense<0xFF800000> : vector<128x512xf32>
    %reduce_max3A_12 = vector.multi_reduction <maximumf>, %reshape3A, %reduce_max3A [1] : vector<128x32x512xf32> to vector<128x512xf32>
    %swap3A = arith.constant 0 : index
    %swap3A_13 = arith.constant 0 : index
    %swap3A_14 = vector.load %arg4[%swap3A, %swap3A_13] : memref<128x512xf32, #tpu.memory_space<vmem>>, vector<128x512xf32>
    tpu.vector_store %arg4[%swap3A, %swap3A_13], %reduce_max3A_12 {strides = array<i32>} : memref<128x512xf32, #tpu.memory_space<vmem>>, vector<128x512xf32>,
    return
  }
  func.func @transform_0(%arg0: i32) -> (i32, i32) {
    %c0_i32 = arith.constant 0 : i32
    %c0_i32_0 = arith.constant 0 : i32
    return %c0_i32, %arg0 : i32, i32
  }
  func.func @transform_1(%arg0: i32) -> (i32, i32) {
    %c0_i32 = arith.constant 0 : i32
    %c0_i32_0 = arith.constant 0 : i32
    %c0_i32_1 = arith.constant 0 : i32
    return %c0_i32, %c0_i32_0 : i32, i32
  }
  func.func @transform_2(%arg0: i32) -> (i32, i32) {
    %c0_i32 = arith.constant 0 : i32
    %c0_i32_0 = arith.constant 0 : i32
    %c0_i32_1 = arith.constant 0 : i32
    return %c0_i32, %c0_i32_0 : i32, i32
  }
  func.func @transform_3(%arg0: i32) -> (i32, i32) {
    %c0_i32 = arith.constant 0 : i32
    %c0_i32_0 = arith.constant 0 : i32
    return %c0_i32, %arg0 : i32, i32
  }
}

</mosaic_0001>

<sc_bundles>
// kernel: gather_offload_async_start.1
scs
__scs_entry_jumppad:
0x0: {  	(pc) =	sbr.rel $0x88, $3  }
0x1: {  	(tag) =	ssettag $0x0;
	lr =	simm.s32 $0x1  }
0x2: {  	[smem:$0x3F93] =	sst lr;
	_ =	strace $0xD0000000  }
0x3: {  	_ = 	snop  }
0x4: {  	_ = 	snop  }
0x5: {  	_ = 	snop  }
0x6: {  	_ = 	snop  }
0x7: {  	_ = 	snop  }
__scs_overlays_trampoline_lowered:
0x8: {  	[smem:$0x3FA2] =	sst s0  }
0x9: {  	[smem:$0x3FA3] =	sst s1  }
0xa: {  	[smem:$0x3FA4] =	sst s2  }
0xb: {  	[smem:$0x3FA5] =	sst s3  }
0xc: {  	[smem:$0x3FA6] =	sst s4  }
0xd: {  	[smem:$0x3FA7] =	sst s5  }
0xe: {  	[smem:$0x3FA8] =	sst s6  }
0xf: {  	[smem:$0x3FA9] =	sst s7  }
0x10: {  	[smem:$0x3FAA] =	sst s8  }
0x11: {  	[smem:$0x3FAB] =	sst s9;
	s0 =	simm.s32 @!p0 $0x0  }
0x12: {  	s1 =	sld [smem:$0x3F91];
	s0 =	simm.s32 @p0 $0x1  }
0x13: {  	[smem:$0x3FAC] =	sst s0;
	s0 =	simm.s32 @!p1 $0x0  }
0x14: {  	s2 =	sld [smem:$0x3F90];
	s0 =	simm.s32 @p1 $0x1  }
0x15: {  	[smem:$0x3FAD] =	sst s0;
	s0 =	simm.s32 @!p2 $0x0  }
0x16: {  	s3 =	sld [smem:$0x3FDB];
	s0 =	simm.s32 @p2 $0x1  }
0x17: {  	s4 =	simm.s32 $0x1BF5;
	[smem:$0x3FAF] =	sst s0  }
0x18: {  	s0 =	sld [smem:$0x3F92];
	_ =	swait.ge [sflag:s4], $0x0  }
0x19: {  	s7 =	sld [smem:$0x3F93]  }
0x1a: {  	s8 =	sadd.s32 $0xFFFFE003, lr  }
0x1b: {  	s9 =	sadd.s32 $0xFFFFFEF7, lr;
	s5 =	simm.s32 $0xFFFFFFFF;
	p2 =	slt.u32 s8, $0xFFFFF086  }
0x1c: {  	p1 =	slt.u32 s9, $0xF7A;
	s5 =	simm.s32 @!p2 $0x0  }
0x1d: {  	s5 =	simm.s32 @p1 $0x1;
	p0 =	seq.s32 s7, s2  }
0x1e: {  	s7 =	smul.u32 @!p0 $0xF7A, s2;
	p2 =	seq.s32 @!p0 s5, $0x0  }
0x1f: {  	s9 =	smul.u32 $0xF7A, s1;
	s8 =	simm.s32 @!p0 $0x1BF5;
	p2 =	por !p2, p0  }
0x20: {  	[sflag:s8] =	ssyncset.s32 @!p0 $0xFFFFF086;
	s6 =	sadd.s32 @!p0 s3, s7;
	s7 =	simm.s32 @!p0 $0x108  }
0x21: {  	s3 =	sadd.s32 s3, s9;
	s6 =	sadd.s32 @!p0 $0x88, s6;
	s7 =	simm.s32 @p2 $0x1082  }
0x22: {  	[simem:s7], [sflag:s8] =	dma.local @!p0 [hbm:s6], $0xF7A  }
0x23: {  	s9 =	sor.u32 $0xD0000000, s2;
	s6 =	simm.s32 $0x108;
	_ =	swait.ge @!p0 [sflag:s8], $0x0  }
0x24: {  	s3 =	sadd.s32 $0x88, s3;
	s6 =	simm.s32 @!p1 $0x1082;
	[sflag:s4] =	ssyncset.s32 $0xFFFFF086  }
0x25: {  	[simem:s6], [sflag:s4] =	dma.local [hbm:s3], $0xF7A  }
0x26: {  	[smem:$0x3F93] =	sst s1;
	(tag) =	ssettag s2;
	_ =	strace s9  }
0x27: {  	s1 =	sld [smem:$0x3FA3]  }
0x28: {  	s2 =	sld [smem:$0x3FA4]  }
0x29: {  	s4 =	sld [smem:$0x3FA6]  }
0x2a: {  	p0 =	seq.s32 s5, $0x0;
	s5 =	sld [smem:$0x3FA7]  }
0x2b: {  	s6 =	sld [smem:$0x3FA8]  }
0x2c: {  	s7 =	sld [smem:$0x3FA9]  }
0x2d: {  	s3 =	simm.s32 $0x108;
	s8 =	sld [smem:$0x3FAA]  }
0x2e: {  	s3 =	simm.s32 @!p0 $0x1082;
	s9 =	sld [smem:$0x3FAB]  }
0x2f: {  	lr =	sadd.s32 s0, s3;
	s0 =	sld [smem:$0x3FA2]  }
0x30: {  	s3 =	sld [smem:$0x3FA5]  }
0x31: {  	[smem:$0x3FAE] =	sst s10  }
0x32: {  	s10 =	sld [smem:$0x3FAC];
	_ =	sdelay $0x3  }
0x33: {  	p0 =	seq.s32 s10, $0x1;
	s10 =	sld [smem:$0x3FAE];
	_ =	sdelay $0x3  }
0x34: {  	[smem:$0x3FAE] =	sst s10  }
0x35: {  	s10 =	sld [smem:$0x3FAD];
	_ =	sdelay $0x3  }
0x36: {  	p1 =	seq.s32 s10, $0x1;
	s10 =	sld [smem:$0x3FAE];
	_ =	sdelay $0x3  }
0x37: {  	[smem:$0x3FAE] =	sst s10  }
0x38: {  	s10 =	sld [smem:$0x3FAF]  }
0x39: {  	_ = 	snop;
	(pc) =	sbr.ind lr, $3  }
0x3a: {  	_ = 	snop  }
0x3b: {  	_ = 	snop  }
0x3c: {  	p2 =	seq.s32 s10, $0x1;
	s10 =	sld [smem:$0x3FAE]  }
0x3d: {  	_ =	shalt  }
0x3e: {  	_ =	shalt  }
0x3f: {  	_ =	shalt  }
0x40: {  	_ =	shalt  }
0x41: {  	_ =	shalt  }
0x42: {  	_ =	shalt  }
0x43: {  	_ =	shalt  }
0x44: {  	_ =	shalt  }
0x45: {  	_ =	shalt  }
0x46: {  	_ =	shalt  }
0x47: {  	_ =	shalt  }
0x48: {  	_ =	shalt  }
0x49: {  	_ =	shalt  }
0x4a: {  	_ =	shalt  }
0x4b: {  	_ =	shalt  }
0x4c: {  	_ =	shalt  }
0x4d: {  	_ =	shalt  }
0x4e: {  	_ =	shalt  }
0x4f: {  	_ =	shalt  }
0x50: {  	_ =	shalt  }
0x51: {  	_ =	shalt  }
0x52: {  	_ =	shalt  }
0x53: {  	_ =	shalt  }
0x54: {  	_ =	shalt  }
0x55: {  	_ =	shalt  }
0x56: {  	_ =	shalt  }
0x57: {  	_ =	shalt  }
0x58: {  	_ =	shalt  }
0x59: {  	_ =	shalt  }
0x5a: {  	_ =	shalt  }
0x5b: {  	_ =	shalt  }
0x5c: {  	_ =	shalt  }
0x5d: {  	_ =	shalt  }
0x5e: {  	_ =	shalt  }
0x5f: {  	_ =	shalt  }
0x60: {  	_ =	shalt  }
0x61: {  	_ =	shalt  }
0x62: {  	_ =	shalt  }
0x63: {  	_ =	shalt  }
0x64: {  	_ =	shalt  }
0x65: {  	_ =	shalt  }
0x66: {  	_ =	shalt  }
0x67: {  	_ =	shalt  }
0x68: {  	_ =	shalt  }
0x69: {  	_ =	shalt  }
0x6a: {  	_ =	shalt  }
0x6b: {  	_ =	shalt  }
0x6c: {  	_ =	shalt  }
0x6d: {  	_ =	shalt  }
0x6e: {  	_ =	shalt  }
0x6f: {  	_ =	shalt  }
0x70: {  	_ =	shalt  }
0x71: {  	_ =	shalt  }
0x72: {  	_ =	shalt  }
0x73: {  	_ =	shalt  }
0x74: {  	_ =	shalt  }
0x75: {  	_ =	shalt  }
0x76: {  	_ =	shalt  }
0x77: {  	_ =	shalt  }
0x78: {  	_ =	shalt  }
0x79: {  	_ =	shalt  }
0x7a: {  	_ =	shalt  }
0x7b: {  	_ =	shalt  }
0x7c: {  	_ =	shalt  }
0x7d: {  	_ =	shalt  }
0x7e: {  	_ =	shalt  }
0x7f: {  	_ =	shalt  }
0x80: {  	_ =	shalt  }
0x81: {  	_ =	shalt  }
0x82: {  	_ =	shalt  }
0x83: {  	_ =	shalt  }
0x84: {  	_ =	shalt  }
0x85: {  	_ =	shalt  }
0x86: {  	_ =	shalt  }
0x87: {  	_ =	shalt  }
.Lfunc_end0:
.L_simem_size_0:
called_computation.1_lowered:
.L_overlay_start_0:
0x88: {  	s2 =	sld [smem:$0x3FD9]  }
0x89: {  	s3 =	sld [smem:$0x3FFE];
	_ =	sdelay $0x1  }
0x8a: {  	s1 =	srdreg.scid  }
0x8b: {  	s0 =	sand.u32 $0x1, s1  }
0x8c: {  	s16 =	sshll.u32 s0, $0xA;
	s2 =	sadd.s32 s3, s2  }
0x8d: {  	s2 =	sadd.s32 s2, s16  }
0x8e: {  	[smem:$0x3FBA] =	sst s2  }
0x8f: {  	_ = 	snop  }
0x90: {  	(tm) =	ssettm $0x1  }
0x91: {  	s17 =	sld [smem:$0x3FFB];
	_ =	sdelay $0x3  }
0x92: {  	_ =	strace s17  }
0x93: {  	s2 =	sld [smem:$0x3FFC];
	_ =	sdelay $0x3  }
0x94: {  	_ =	strace s2  }
0x95: {  	s2 =	sld [smem:$0x3FFD];
	_ =	sdelay $0x3  }
0x96: {  	_ =	strace s2  }
0x97: {  	_ =	strace $0x8FFFFFFF  }
0x98: {  	s18 =	sld [smem:$0x3FDB];
	_ =	sdelay $0x1  }
0x99: {  	s19 =	simm.s32 $_scs_section_size  }
0x9a: {  	s4 =	simm.s32 $_size__tile_overlayer_lowered;
	s5 =	simm.s32 $_tile_overlayer_lowered  }
0x9b: {  	s22 =	simm.s32 $0x1BFF;
	s21 =	sshll.u32 s5, $0x1;
	s2 =	sadd.s32 s19, s18  }
0x9c: {  	s6 =	simm.s32 $0x0;
	s20 =	sshll.u32 s4, $0x1;
	s4 =	sadd.s32 s21, s2  }
0x9d: {  	[timem:s6], [sflag:s22] =	dma.local [hbm:s4], s20  }
0x9e: {  	_ =	swait.ge [sflag:s22], s20  }
0x9f: {  	s3 =	ssub.s32 $0x0, s20;
	[sflag:s22] =	ssyncset.done $0x0  }
0xa0: {  	[sflag:s22] =	ssyncadd.s32 s3;
	_ =	sdelay $0x1  }
0xa1: {  	s23 =	simm.s32 $0x1B8B  }
0xa2: {  	_ =	swait.ge [sflag:s23], $0x1  }
0xa3: {  	[sflag:s23] =	ssyncset.done $0x0  }
0xa4: {  	s25 =	simm.s32 $0x1B8E;
	s24 =	sld [smem:$0x3FFE];
	[sflag:s23] =	ssyncadd.s32 $0xFFFFFFFF  }
0xa5: {  	s26 =	simm.s32 $execute0_lowered;
	[smem:$0x3FD2] =	sst s25  }
0xa6: {  	s4 =	sshll.u32 s26, $0x1;
	_ =	strace $0x80000052;
	[dreg:$0x1] =	wrdreg $0xFFFFFFFF  }
0xa7: {  	s28 =	simm.s32 $_size_execute0_lowered;
	s2 =	sadd.s32 s2, s4;
	[dreg:$0x0] =	wrdreg $0x0  }
0xa8: {  	s4 =	sshll.u32 s28, $0x1;
	[dreg:$0x2] =	wrdreg s2  }
0xa9: {  	[dreg:$0x3] =	wrdreg s4  }
0xaa: {  	[dreg:$0x4] =	wrdreg $0xC0  }
0xab: {  	_ =	task [dreg:s6], $0x5FFFF  }
0xac: {  	[dreg:$0x1] =	wrdreg $0xFFFFFFFF  }
0xad: {  	[dreg:$0x0] =	wrdreg $0x60  }
0xae: {  	[dreg:$0x2] =	wrdreg s24  }
0xaf: {  	[dreg:$0x3] =	wrdreg $0x9  }
0xb0: {  	_ =	task.clear_ibuf [dreg:s6], $0x4FFFF;
	_ =	strace $0x90000052  }
0xb1: {  	s29 =	simm.s32 $0x9;
	_ =	strace $0x80000054  }
0xb2: {  	_ =	swait.ge [sflag:s29], $0x1  }
0xb3: {  	[sflag:s29] =	ssyncadd.s32 $0xFFFFFFFF  }
0xb4: {  	_ =	strace $0x90000054  }
0xb5: {  	_ =	sfence  }
0xb6: {  	s30 =	sld [smem:$0x0];
	_ =	sdelay $0x2  }
0xb7: {  	s31 =	sshll.u32 s1, $0xD;
	s1 =	sshrl.u32 s1, $0x2  }
0xb8: {  	s3 =	sand.u32 $0x4000, s31;
	s1 =	sadd.s32 s1, s30  }
0xb9: {  	s0 =	sor.u32 s3, s0;
	s1 =	sshll.u32 s1, $0x11  }
0xba: {  	s0 =	sor.u32 s1, s0  }
0xbb: {  	s0 =	sadd.s32 $0x8F2B, s0  }
0xbc: {  	[sflag:s0] =	ssyncadd.remote.s32 $0x1  }
0xbd: {  	_ =	sfence.sel $0xFFFF  }
0xbe: {  	[dreg:$0x0] =	wrdreg $0xFFFFFFFF;
	(pc) =	sbr.abs _section_cstart, $3  }
0xbf: {  	[dreg:$0x1] =	wrdreg $0xFFFFFFFF  }
0xc0: {  	_ =	task.clear_ibuf [dreg:s6], $0x2FFFF;
	_ =	strace $0x9FFFFFFF  }
0xc1: {  	(tm) =	ssettm $0x7FFFFFFF  }
tec
execute0_lowered:
.L_overlay_start_1:
0x0: {  	(tag) =	ssettag $0x1  }
0x1: {  	s8 =	rddreg [dreg:$0x0]  }
0x2: {  	s0 =	rddreg [dreg:$0x1];
	_ =	strace $0x80000053;
	s1 =	stileid.u32  }
0x3: {  	s3 =	srdreg.scid;
	s4 =	simm.s32 $0x1;
	s7 =	simm.s32 $0x1  }
0x4: {  	s9 =	simm.s32 $0x1;
	s10 =	simm.s32 $0x3;
	s13 =	simm.s32 $0x0  }
0x5: {  	s12 =	simm.s32 $0x0;
	s5 =	sand.u32 $0x1, s3;
	s6 =	sshll.u32 s1, $0x1  }
0x6: {  	s2 =	sadd.s32 $0x98A00, s8;
	s3 =	sadd.s32 $0x118A00, s8;
	s5 =	sor.u32 s6, s5  }
.Ltmp0:
0x7: {  	[sflag:s4] =	ssyncpa.u1 $0x0;
	p0 =	slt.u32 s5, $0xD;
	(pc) =	sbr.rel .LBB2_1-.Ltmp0, $4  }
0x8: {  	s6 =	simm.s32 $0x2;
	s7 =	simm.s32 @!p0 $0x0;
	p0 =	sne.s32 s5, $0xC  }
0x9: {  	[sflag:s6] =	ssyncpa.u1 $0x0;
	s5 =	smul.u32 $0x1800, s5;
	s9 =	simm.s32 @!p0 $0x0  }
0xa: {  	s8 =	sadd.s32 $0x48800, s8;
	[sflag:s10] =	ssyncpa.u1 $0x0;
	s7 =	sadd.s32 s9, s7  }
0xb: {  	vm0 =	vmmov $0xffff;
	s10 =	simm.s32 $0x0;
	s11 =	smov.u32 s5;
	s9 =	sadd.s32 $0x1, s7  }
.LBB2_4:
0xc: {  	v6 =	vand.u32 $0x7F, v3;
	v4 =	vsel vm1, $0xFFF40000, v4  }
0xd: {  	v5 =	vmul.u32 $0xC00, v5;
	vm1 =	vmmov vm2;
	v56 =	vshll.u32 v3, $0x3  }
0xe: {  	v7 =	vand.u32 $0x3, v1;
	v2 =	vshll.u32 v2, $0x7;
	v57 =	vshrl.u32 v1, $0x2  }
0xf: {  	v58 =	vshrl.u32 v1, $0xD;
	v4 =	vor.u32 v4, v6;
	v3 =	vand.u32 $0xFFFFFC00, v56  }
0x10: {  	v2 =	vand.u32 $0x380, v2;
	v4 =	vadd.s32 v5, v4;
	v5 =	vand.u32 $0x7FF, v57  }
0x11: {  	v1 =	vand.u32 $0x1FF, v58;
	v59 =	vmul.u32 $0xC0000, v7;
	v5 =	vsel vm1, $0xFFFFFFFF, v5  }
0x12: {  	v1 =	vsel vm1, $0xFFFFFFFF, v1;
	v3 =	vadd.s32 v3, v4;
	v60 =	vshrl.u32 v5, $0x3  }
0x13: {  	v61 =	vand.u32 $0x7F, v1;
	v6 =	vsel vm1, $0xFFF40000, v59;
	v4 =	vmul.u32 $0xC00, v60  }
0x14: {  	v1 =	vshll.u32 v1, $0x3;
	v2 =	vor.u32 v2, v3;
	v62 =	vor.u32 v6, v61  }
0x15: {  	v1 =	vand.u32 $0xFFFFFC00, v1;
	v5 =	vshll.u32 v5, $0x7;
	v3 =	vadd.s32 v4, v62  }
0x16: {  	v63 =	vand.u32 $0x380, v5;
	v1 =	vadd.s32 v1, v3  }
0x17: {  	(ifvalue) =	ssetifvalue $0x7FFFFFFF;
	s15 =	sadd.s32 $0x10, s15;
	v1 =	vor.u32 v63, v1  }
0x18: {  	[tilespmem:s15], [sflag:$0x1] =	stream.indirect_vreg.gather [hbm4b:s2+s10], $0x1, v0, vm0, $0x4038;
	[tilespmem:$0x6000] =	vst v63  }
0x19: {  	(ifvalue) =	ssetifvalue $0x7FFFFFFF;
	s15 =	sadd.s32 $0x10, s15  }
0x1a: {  	[tilespmem:s15], [sflag:$0x1] =	stream.indirect_vreg.gather [hbm4b:s2+s10], $0x1, v2, vm0, $0x4038;
	[tilespmem:$0x6000] =	vst v63  }
0x1b: {  	(ifvalue) =	ssetifvalue $0x7FFFFFFF;
	s15 =	sadd.s32 $0x10, s15  }
0x1c: {  	[tilespmem:s15], [sflag:$0x1] =	stream.indirect_vreg.gather [hbm4b:s2+s10], $0x1, v1, vm0, $0x4038;
	[tilespmem:$0x6000] =	vst v63  }
0x1d: {  	_ =	swait.ge [sflag:s4], $0x1800  }
0x1e: {  	s30 =	sshrl.u32 s13, $0x3;
	[sflag:s4] =	ssyncset.done $0x0  }
0x1f: {  	s31 =	sand.u32 $0x7, s13;
	s15 =	sadd.s32 s8, s30;
	[sflag:s4] =	ssyncadd.s32 $0xFFFFE800  }
0x20: {  	[hbm4b:s15+s31] =	stream.linear.scatter [tilespmem:s14], [sflag:$0x3], $0x1800, $0x38;
	[tilespmem:$0x6000] =	vst v63  }
.LBB2_5:
0x21: {  	s15 =	sadd.s32 $0x30000, s11  }
0x22: {  	p1 =	sgt.s32 s15, $0x41FFF  }
0x23: {  	s15 =	smov.u32 @p1 s5;
	p1 =	sne.s32 s12, s9  }
.Ltmp1:
0x24: {  	p0 =	slt.u32 s12, $0x2;
	(pc) =	sbr.rel @!p1 .LBB2_6-.Ltmp1, $4  }
0x25: {  	s14 =	simm.s32 @!p0 $0x3  }
0x26: {  	_ =	swait.ge @!p0 [sflag:s14], $0x1800  }
0x27: {  	s16 =	sadd.s32 $0x1, s12;
	s13 =	smov.u32 s11;
	[sflag:s14] =	ssyncset.done @!p0 $0x0  }
0x28: {  	s12 =	smov.u32 s16;
	s11 =	smov.u32 s15;
	[sflag:s14] =	ssyncadd.s32 @!p0 $0xFFFFE800  }
.LBB2_1:
0x29: {  	p0 =	sge.u32 s12, s7  }
0x2a: {  	s14 =	sxor.u32 @!p0 $0x1, s12  }
0x2b: {  	s14 =	smul.u32 @!p0 $0x6000, s14  }
0x2c: {  	s31 =	sadd.s32 $0xFFFFFFFF, s12;
	s15 =	sshrl.u32 @!p0 s11, $0x3  }
0x2d: {  	s16 =	sand.u32 @!p0 $0x7, s11;
	s15 =	sadd.s32 @!p0 s3, s15;
	s14 =	sshra.s32 @!p0 s14, $0x2  }
0x2e: {  	[tilespmem:s14], [sflag:$0x2] =	stream.linear.gather @!p0 [hbm4b:s15+s16], $0x1800, $0x38;
	[tilespmem:$0x6000] =	vst v63  }
0x2f: {  	p0 =	sge.u32 s31, s7  }
.Ltmp2:
0x30: {  	_ = 	snop;
	(pc) =	sbr.rel @p0 .LBB2_5-.Ltmp2, $1  }
0x31: {  	_ =	sdelay $0x3  }
0x32: {  	s14 =	sand.u32 $0x1, s12  }
0x33: {  	_ =	swait.ge [sflag:s6], $0x1800;
	p0 =	seq.s32 s14, $0x1;
	s14 =	simm.s32 $0x1800  }
0x34: {  	[sflag:s6] =	ssyncset.done $0x0;
	s14 =	simm.s32 @!p0 $0x0  }
0x35: {  	[sflag:s6] =	ssyncadd.s32 $0xFFFFE800;
	(ifvalue) =	ssetifvalue $0x7FFFFFFF;
	v0 =	vld.msk [tilespmem:s14+$0x0 ss:$0x1], $0xffff;
	_ =	sdelay $0x1  }
0x36: {  	s15 =	sadd.s32 $0x10, s14  }
0x37: {  	v1 =	vld.msk [tilespmem:s15+$0x0 ss:$0x1], $0xffff;
	s15 =	sadd.s32 $0x10, s15  }
0x38: {  	v6 =	vld.msk [tilespmem:s15+$0x0 ss:$0x1], $0xffff  }
0x39: {  	vm1 =	veq.s32 v0, $0x80000000;
	v2 =	vand.u32 $0x3, v0  }
0x3a: {  	v3 =	vshrl.u32 v0, $0x2;
	v0 =	vshrl.u32 v0, $0xD;
	vm1 =	vmmov vm1  }
0x3b: {  	v3 =	vand.u32 $0x7FF, v3;
	v0 =	vand.u32 $0x1FF, v0;
	v2 =	vmul.u32 $0xC0000, v2  }
0x3c: {  	vm2 =	veq.s32 v1, $0x80000000;
	v7 =	vand.u32 $0x3, v1;
	v3 =	vsel vm1, $0xFFFFFFFF, v3  }
0x3d: {  	v0 =	vsel vm1, $0xFFFFFFFF, v0;
	v8 =	vand.u32 $0x3, v6;
	v4 =	vshrl.u32 v3, $0x3  }
0x3e: {  	v5 =	vand.u32 $0x7F, v0;
	v2 =	vsel vm1, $0xFFF40000, v2;
	vm1 =	vmmov vm2  }
0x3f: {  	v0 =	vshll.u32 v0, $0x3;
	v3 =	vshll.u32 v3, $0x7;
	v4 =	vmul.u32 $0xC00, v4  }
0x40: {  	v2 =	vor.u32 v2, v5;
	v0 =	vand.u32 $0xFFFFFC00, v0;
	v3 =	vand.u32 $0x380, v3  }
0x41: {  	v2 =	vadd.s32 v4, v2;
	v4 =	vshrl.u32 v1, $0x2;
	v1 =	vshrl.u32 v1, $0xD  }
0x42: {  	v0 =	vadd.s32 v0, v2;
	v2 =	vand.u32 $0x7FF, v4;
	v1 =	vand.u32 $0x1FF, v1  }
0x43: {  	v0 =	vor.u32 v3, v0;
	v2 =	vsel vm1, $0xFFFFFFFF, v2;
	v3 =	vmul.u32 $0xC0000, v7  }
0x44: {  	vm2 =	veq.s32 v6, $0x80000000;
	v4 =	vsel vm1, $0xFFFFFFFF, v1;
	v1 =	vshrl.u32 v2, $0x3  }
0x45: {  	s15 =	sadd.s32 $0x10, s15;
	v5 =	vand.u32 $0x7F, v4;
	v3 =	vsel vm1, $0xFFF40000, v3;
	v7 =	vmul.u32 $0xC00, v1  }
0x46: {  	v4 =	vshll.u32 v4, $0x3;
	v2 =	vshll.u32 v2, $0x7;
	v1 =	vld.msk [tilespmem:s15+$0x0 ss:$0x1], $0xffff;
	v3 =	vor.u32 v3, v5  }
0x47: {  	vm1 =	vmmov vm2;
	v4 =	vand.u32 $0xFFFFFC00, v4;
	v3 =	vadd.s32 v7, v3  }
0x48: {  	s14 =	sadd.s32 $0x3000, s14;
	(ifvalue) =	ssetifvalue $0x7FFFFFFF;
	v2 =	vand.u32 $0x380, v2;
	v5 =	vshrl.u32 v6, $0x2;
	v3 =	vadd.s32 v4, v3  }
0x49: {  	[tilespmem:s14], [sflag:$0x1] =	stream.indirect_vreg.gather [hbm4b:s2+s10], $0x1, v0, vm0, $0x4038;
	v4 =	vand.u32 $0x7FF, v5;
	v5 =	vshrl.u32 v6, $0xD;
	v0 =	vor.u32 v2, v3;
	[tilespmem:$0x6000] =	vst v63  }
0x4a: {  	v2 =	vsel vm1, $0xFFFFFFFF, v4;
	v3 =	vand.u32 $0x1FF, v5;
	v4 =	vmul.u32 $0xC0000, v8  }
0x4b: {  	s16 =	simm.s32 $0x30;
	s17 =	sadd.s32 $0x10, s15;
	s15 =	smov.u32 s14;
	vm2 =	veq.s32 v1, $0x80000000;
	v3 =	vsel vm1, $0xFFFFFFFF, v3;
	v5 =	vshrl.u32 v2, $0x3  }
.LBB2_3:
0x4c: {  	v7 =	vand.u32 $0x7F, v3  }
0x4d: {  	v6 =	vld.msk [tilespmem:s17+$0x0 ss:$0x1], $0xffff;
	v4 =	vsel vm1, $0xFFF40000, v4;
	v5 =	vmul.u32 $0xC00, v5;
	vm1 =	vmmov vm2;
	s16 =	sadd.s32 $0x10, s16  }
0x4e: {  	v8 =	vand.u32 $0x3, v1;
	v3 =	vshll.u32 v3, $0x3;
	s15 =	sadd.s32 $0x10, s15;
	v4 =	vor.u32 v4, v7;
	(ifvalue) =	ssetifvalue $0x7FFFFFFF;
	p0 =	slt.u32 s16, $0x17F0  }
0x4f: {  	[tilespmem:s15], [sflag:$0x1] =	stream.indirect_vreg.gather [hbm4b:s2+s10], $0x1, v0, vm0, $0x4038;
	[tilespmem:$0x6000] =	vst v63  }
.Ltmp3:
0x50: {  	v2 =	vshll.u32 v2, $0x7;
	v3 =	vand.u32 $0xFFFFFC00, v3;
	v4 =	vadd.s32 v5, v4;
	(pc) =	sbr.rel @p0 .LBB2_3-.Ltmp3, $4  }
0x51: {  	v2 =	vand.u32 $0x380, v2;
	v0 =	vshrl.u32 v1, $0x2;
	v3 =	vadd.s32 v3, v4  }
0x52: {  	v9 =	vshrl.u32 v1, $0xD;
	v4 =	vand.u32 $0x7FF, v0;
	v0 =	vor.u32 v2, v3  }
0x53: {  	v7 =	vand.u32 $0x1FF, v9;
	v2 =	vsel vm1, $0xFFFFFFFF, v4;
	v4 =	vmul.u32 $0xC0000, v8  }
0x54: {  	s17 =	sadd.s32 $0x10, s17;
	v3 =	vsel vm1, $0xFFFFFFFF, v7;
	vm2 =	veq.s32 v6, $0x80000000;
	v5 =	vshrl.u32 v2, $0x3;
	v1 =	vmovc v6  }
.Ltmp4:
0x55: {  	_ = 	snop;
	(pc) =	sbr.rel .LBB2_4-.Ltmp4, $1  }
0x56: {  	_ =	sdelay $0x3  }
.LBB2_6:
0x57: {  	_ =	sfence.sel $0x180000  }
0x58: {  	s2 =	simm.s32 $0x2;
	[bflag:$0x0] =	sbarrier.arrive $0xFFFF  }
0x59: {  	s30 =	simm.s32 $0x3;
	[sflag:s2] =	ssyncpa.u1 $0x1  }
0x5a: {  	s31 =	simm.s32 $0x1;
	[sflag:s30] =	ssyncpa.u1 $0x1  }
0x5b: {  	[sflag:s31] =	ssyncpa.u1 $0x1  }
0x5c: {  	p0 =	sne.s32 s1, $0x0;
	_ =	strace $0x90000053  }
0x5d: {  	s0 =	sadd.s32 @!p0 $0x100000, s0;
	[bflag:$0x2] =	sbarrier.arrive $0xFFFF  }
0x5e: {  	[sflag:s0] =	ssyncadd.tile.s32 @!p0 $0x1;
	_ =	shalt  }
.Lfunc_end2:
_tile_overlayer_lowered:
.L_overlay_start_2:
0x5f: {  	(tag) =	ssettag $0x2  }
0x60: {  	s0 =	rddreg [dreg:$0x0];
	s2 =	stileid.u32  }
0x61: {  	s1 =	rddreg [dreg:$0x1];
	p0 =	sne.s32 s2, $0x0  }
0x62: {  	s3 =	rddreg [dreg:$0x2];
	[bflag:$0x3] =	sbarrier.arrive $0xFFFF;
	s2 =	simm.s32 @!p0 $0x1C01  }
0x63: {  	[timem:s3], [sflag:s2] =	dma.local @!p0 [hbm:s0], s1  }
0x64: {  	s0 =	simm.s32 @!p0 $0x1  }
0x65: {  	_ =	swait.ge @!p0 [sflag:s0], s1  }
0x66: {  	s1 =	ssub.s32 @!p0 $0x0, s1;
	[sflag:s0] =	ssyncset.done @!p0 $0x0  }
0x67: {  	[sflag:s0] =	ssyncadd.s32 @!p0 s1  }
0x68: {  	[bflag:$0x3] =	sbarrier.arrive $0xFFFF  }
0x69: {  	_ =	shalt  }

// kernel: gather_offload_async_start.2
scs
__scs_entry_jumppad:
0x0: {  	(pc) =	sbr.rel $0x88, $3  }
0x1: {  	(tag) =	ssettag $0x0;
	lr =	simm.s32 $0x1  }
0x2: {  	[smem:$0x3F93] =	sst lr;
	_ =	strace $0xD0000000  }
0x3: {  	_ = 	snop  }
0x4: {  	_ = 	snop  }
0x5: {  	_ = 	snop  }
0x6: {  	_ = 	snop  }
0x7: {  	_ = 	snop  }
__scs_overlays_trampoline_lowered:
0x8: {  	[smem:$0x3FA2] =	sst s0  }
0x9: {  	[smem:$0x3FA3] =	sst s1  }
0xa: {  	[smem:$0x3FA4] =	sst s2  }
0xb: {  	[smem:$0x3FA5] =	sst s3  }
0xc: {  	[smem:$0x3FA6] =	sst s4  }
0xd: {  	[smem:$0x3FA7] =	sst s5  }
0xe: {  	[smem:$0x3FA8] =	sst s6  }
0xf: {  	[smem:$0x3FA9] =	sst s7  }
0x10: {  	[smem:$0x3FAA] =	sst s8  }
0x11: {  	[smem:$0x3FAB] =	sst s9;
	s0 =	simm.s32 @!p0 $0x0  }
0x12: {  	s1 =	sld [smem:$0x3F91];
	s0 =	simm.s32 @p0 $0x1  }
0x13: {  	[smem:$0x3FAC] =	sst s0;
	s0 =	simm.s32 @!p1 $0x0  }
0x14: {  	s2 =	sld [smem:$0x3F90];
	s0 =	simm.s32 @p1 $0x1  }
0x15: {  	[smem:$0x3FAD] =	sst s0;
	s0 =	simm.s32 @!p2 $0x0  }
0x16: {  	s3 =	sld [smem:$0x3FDB];
	s0 =	simm.s32 @p2 $0x1  }
0x17: {  	s4 =	simm.s32 $0x1BF5;
	[smem:$0x3FAF] =	sst s0  }
0x18: {  	s0 =	sld [smem:$0x3F92];
	_ =	swait.ge [sflag:s4], $0x0  }
0x19: {  	s7 =	sld [smem:$0x3F93]  }
0x1a: {  	s8 =	sadd.s32 $0xFFFFE003, lr  }
0x1b: {  	s9 =	sadd.s32 $0xFFFFFEF7, lr;
	s5 =	simm.s32 $0xFFFFFFFF;
	p2 =	slt.u32 s8, $0xFFFFF086  }
0x1c: {  	p1 =	slt.u32 s9, $0xF7A;
	s5 =	simm.s32 @!p2 $0x0  }
0x1d: {  	s5 =	simm.s32 @p1 $0x1;
	p0 =	seq.s32 s7, s2  }
0x1e: {  	s7 =	smul.u32 @!p0 $0xF7A, s2;
	p2 =	seq.s32 @!p0 s5, $0x0  }
0x1f: {  	s9 =	smul.u32 $0xF7A, s1;
	s8 =	simm.s32 @!p0 $0x1BF5;
	p2 =	por !p2, p0  }
0x20: {  	[sflag:s8] =	ssyncset.s32 @!p0 $0xFFFFF086;
	s6 =	sadd.s32 @!p0 s3, s7;
	s7 =	simm.s32 @!p0 $0x108  }
0x21: {  	s3 =	sadd.s32 s3, s9;
	s6 =	sadd.s32 @!p0 $0x88, s6;
	s7 =	simm.s32 @p2 $0x1082  }
0x22: {  	[simem:s7], [sflag:s8] =	dma.local @!p0 [hbm:s6], $0xF7A  }
0x23: {  	s9 =	sor.u32 $0xD0000000, s2;
	s6 =	simm.s32 $0x108;
	_ =	swait.ge @!p0 [sflag:s8], $0x0  }
0x24: {  	s3 =	sadd.s32 $0x88, s3;
	s6 =	simm.s32 @!p1 $0x1082;
	[sflag:s4] =	ssyncset.s32 $0xFFFFF086  }
0x25: {  	[simem:s6], [sflag:s4] =	dma.local [hbm:s3], $0xF7A  }
0x26: {  	[smem:$0x3F93] =	sst s1;
	(tag) =	ssettag s2;
	_ =	strace s9  }
0x27: {  	s1 =	sld [smem:$0x3FA3]  }
0x28: {  	s2 =	sld [smem:$0x3FA4]  }
0x29: {  	s4 =	sld [smem:$0x3FA6]  }
0x2a: {  	p0 =	seq.s32 s5, $0x0;
	s5 =	sld [smem:$0x3FA7]  }
0x2b: {  	s6 =	sld [smem:$0x3FA8]  }
0x2c: {  	s7 =	sld [smem:$0x3FA9]  }
0x2d: {  	s3 =	simm.s32 $0x108;
	s8 =	sld [smem:$0x3FAA]  }
0x2e: {  	s3 =	simm.s32 @!p0 $0x1082;
	s9 =	sld [smem:$0x3FAB]  }
0x2f: {  	lr =	sadd.s32 s0, s3;
	s0 =	sld [smem:$0x3FA2]  }
0x30: {  	s3 =	sld [smem:$0x3FA5]  }
0x31: {  	[smem:$0x3FAE] =	sst s10  }
0x32: {  	s10 =	sld [smem:$0x3FAC];
	_ =	sdelay $0x3  }
0x33: {  	p0 =	seq.s32 s10, $0x1;
	s10 =	sld [smem:$0x3FAE];
	_ =	sdelay $0x3  }
0x34: {  	[smem:$0x3FAE] =	sst s10  }
0x35: {  	s10 =	sld [smem:$0x3FAD];
	_ =	sdelay $0x3  }
0x36: {  	p1 =	seq.s32 s10, $0x1;
	s10 =	sld [smem:$0x3FAE];
	_ =	sdelay $0x3  }
0x37: {  	[smem:$0x3FAE] =	sst s10  }
0x38: {  	s10 =	sld [smem:$0x3FAF]  }
0x39: {  	_ = 	snop;
	(pc) =	sbr.ind lr, $3  }
0x3a: {  	_ = 	snop  }
0x3b: {  	_ = 	snop  }
0x3c: {  	p2 =	seq.s32 s10, $0x1;
	s10 =	sld [smem:$0x3FAE]  }
0x3d: {  	_ =	shalt  }
0x3e: {  	_ =	shalt  }
0x3f: {  	_ =	shalt  }
0x40: {  	_ =	shalt  }
0x41: {  	_ =	shalt  }
0x42: {  	_ =	shalt  }
0x43: {  	_ =	shalt  }
0x44: {  	_ =	shalt  }
0x45: {  	_ =	shalt  }
0x46: {  	_ =	shalt  }
0x47: {  	_ =	shalt  }
0x48: {  	_ =	shalt  }
0x49: {  	_ =	shalt  }
0x4a: {  	_ =	shalt  }
0x4b: {  	_ =	shalt  }
0x4c: {  	_ =	shalt  }
0x4d: {  	_ =	shalt  }
0x4e: {  	_ =	shalt  }
0x4f: {  	_ =	shalt  }
0x50: {  	_ =	shalt  }
0x51: {  	_ =	shalt  }
0x52: {  	_ =	shalt  }
0x53: {  	_ =	shalt  }
0x54: {  	_ =	shalt  }
0x55: {  	_ =	shalt  }
0x56: {  	_ =	shalt  }
0x57: {  	_ =	shalt  }
0x58: {  	_ =	shalt  }
0x59: {  	_ =	shalt  }
0x5a: {  	_ =	shalt  }
0x5b: {  	_ =	shalt  }
0x5c: {  	_ =	shalt  }
0x5d: {  	_ =	shalt  }
0x5e: {  	_ =	shalt  }
0x5f: {  	_ =	shalt  }
0x60: {  	_ =	shalt  }
0x61: {  	_ =	shalt  }
0x62: {  	_ =	shalt  }
0x63: {  	_ =	shalt  }
0x64: {  	_ =	shalt  }
0x65: {  	_ =	shalt  }
0x66: {  	_ =	shalt  }
0x67: {  	_ =	shalt  }
0x68: {  	_ =	shalt  }
0x69: {  	_ =	shalt  }
0x6a: {  	_ =	shalt  }
0x6b: {  	_ =	shalt  }
0x6c: {  	_ =	shalt  }
0x6d: {  	_ =	shalt  }
0x6e: {  	_ =	shalt  }
0x6f: {  	_ =	shalt  }
0x70: {  	_ =	shalt  }
0x71: {  	_ =	shalt  }
0x72: {  	_ =	shalt  }
0x73: {  	_ =	shalt  }
0x74: {  	_ =	shalt  }
0x75: {  	_ =	shalt  }
0x76: {  	_ =	shalt  }
0x77: {  	_ =	shalt  }
0x78: {  	_ =	shalt  }
0x79: {  	_ =	shalt  }
0x7a: {  	_ =	shalt  }
0x7b: {  	_ =	shalt  }
0x7c: {  	_ =	shalt  }
0x7d: {  	_ =	shalt  }
0x7e: {  	_ =	shalt  }
0x7f: {  	_ =	shalt  }
0x80: {  	_ =	shalt  }
0x81: {  	_ =	shalt  }
0x82: {  	_ =	shalt  }
0x83: {  	_ =	shalt  }
0x84: {  	_ =	shalt  }
0x85: {  	_ =	shalt  }
0x86: {  	_ =	shalt  }
0x87: {  	_ =	shalt  }
.Lfunc_end0:
.L_simem_size_0:
called_computation.2_lowered:
.L_overlay_start_0:
0x88: {  	s2 =	sld [smem:$0x3FD9]  }
0x89: {  	s3 =	sld [smem:$0x3FFE];
	_ =	sdelay $0x1  }
0x8a: {  	s1 =	srdreg.scid  }
0x8b: {  	s0 =	sand.u32 $0x1, s1  }
0x8c: {  	s16 =	sshll.u32 s0, $0xA;
	s2 =	sadd.s32 s3, s2  }
0x8d: {  	s2 =	sadd.s32 s2, s16  }
0x8e: {  	[smem:$0x3FBA] =	sst s2  }
0x8f: {  	_ = 	snop  }
0x90: {  	(tm) =	ssettm $0x1  }
0x91: {  	s17 =	sld [smem:$0x3FFB];
	_ =	sdelay $0x3  }
0x92: {  	_ =	strace s17  }
0x93: {  	s2 =	sld [smem:$0x3FFC];
	_ =	sdelay $0x3  }
0x94: {  	_ =	strace s2  }
0x95: {  	s2 =	sld [smem:$0x3FFD];
	_ =	sdelay $0x3  }
0x96: {  	_ =	strace s2  }
0x97: {  	_ =	strace $0x8FFFFFFF  }
0x98: {  	s18 =	sld [smem:$0x3FDB];
	_ =	sdelay $0x1  }
0x99: {  	s19 =	simm.s32 $_scs_section_size  }
0x9a: {  	s4 =	simm.s32 $_size__tile_overlayer_lowered;
	s5 =	simm.s32 $_tile_overlayer_lowered  }
0x9b: {  	s22 =	simm.s32 $0x1BFF;
	s21 =	sshll.u32 s5, $0x1;
	s2 =	sadd.s32 s19, s18  }
0x9c: {  	s6 =	simm.s32 $0x0;
	s20 =	sshll.u32 s4, $0x1;
	s4 =	sadd.s32 s21, s2  }
0x9d: {  	[timem:s6], [sflag:s22] =	dma.local [hbm:s4], s20  }
0x9e: {  	_ =	swait.ge [sflag:s22], s20  }
0x9f: {  	s3 =	ssub.s32 $0x0, s20;
	[sflag:s22] =	ssyncset.done $0x0  }
0xa0: {  	[sflag:s22] =	ssyncadd.s32 s3;
	_ =	sdelay $0x1  }
0xa1: {  	s23 =	simm.s32 $0x1B8B  }
0xa2: {  	_ =	swait.ge [sflag:s23], $0x1  }
0xa3: {  	[sflag:s23] =	ssyncset.done $0x0  }
0xa4: {  	s25 =	simm.s32 $0x1B8E;
	s24 =	sld [smem:$0x3FFE];
	[sflag:s23] =	ssyncadd.s32 $0xFFFFFFFF  }
0xa5: {  	s26 =	simm.s32 $execute0_lowered;
	[smem:$0x3FD2] =	sst s25  }
0xa6: {  	s4 =	sshll.u32 s26, $0x1;
	_ =	strace $0x8000004F;
	[dreg:$0x1] =	wrdreg $0xFFFFFFFF  }
0xa7: {  	s28 =	simm.s32 $_size_execute0_lowered;
	s2 =	sadd.s32 s2, s4;
	[dreg:$0x0] =	wrdreg $0x0  }
0xa8: {  	s4 =	sshll.u32 s28, $0x1;
	[dreg:$0x2] =	wrdreg s2  }
0xa9: {  	[dreg:$0x3] =	wrdreg s4  }
0xaa: {  	[dreg:$0x4] =	wrdreg $0xC0  }
0xab: {  	_ =	task [dreg:s6], $0x5FFFF  }
0xac: {  	[dreg:$0x1] =	wrdreg $0xFFFFFFFF  }
0xad: {  	[dreg:$0x0] =	wrdreg $0x60  }
0xae: {  	[dreg:$0x2] =	wrdreg s24  }
0xaf: {  	[dreg:$0x3] =	wrdreg $0x9  }
0xb0: {  	_ =	task.clear_ibuf [dreg:s6], $0x4FFFF;
	_ =	strace $0x9000004F  }
0xb1: {  	s29 =	simm.s32 $0x9;
	_ =	strace $0x80000051  }
0xb2: {  	_ =	swait.ge [sflag:s29], $0x1  }
0xb3: {  	[sflag:s29] =	ssyncadd.s32 $0xFFFFFFFF  }
0xb4: {  	_ =	strace $0x90000051  }
0xb5: {  	_ =	sfence  }
0xb6: {  	s30 =	sld [smem:$0x0];
	_ =	sdelay $0x2  }
0xb7: {  	s31 =	sshll.u32 s1, $0xD;
	s1 =	sshrl.u32 s1, $0x2  }
0xb8: {  	s3 =	sand.u32 $0x4000, s31;
	s1 =	sadd.s32 s1, s30  }
0xb9: {  	s0 =	sor.u32 s3, s0;
	s1 =	sshll.u32 s1, $0x11  }
0xba: {  	s0 =	sor.u32 s1, s0  }
0xbb: {  	s0 =	sadd.s32 $0x8F2B, s0  }
0xbc: {  	[sflag:s0] =	ssyncadd.remote.s32 $0x1  }
0xbd: {  	_ =	sfence.sel $0xFFFF  }
0xbe: {  	[dreg:$0x0] =	wrdreg $0xFFFFFFFF;
	(pc) =	sbr.abs _section_cstart, $3  }
0xbf: {  	[dreg:$0x1] =	wrdreg $0xFFFFFFFF  }
0xc0: {  	_ =	task.clear_ibuf [dreg:s6], $0x2FFFF;
	_ =	strace $0x9FFFFFFF  }
0xc1: {  	(tm) =	ssettm $0x7FFFFFFF  }
tec
execute0_lowered:
.L_overlay_start_1:
0x0: {  	(tag) =	ssettag $0x1  }
0x1: {  	s0 =	srdreg.scid;
	s5 =	rddreg [dreg:$0x0]  }
0x2: {  	s1 =	stileid.u32;
	s6 =	simm.s32 $0x1;
	s9 =	simm.s32 $0x1  }
0x3: {  	s10 =	simm.s32 $0x3;
	s13 =	simm.s32 $0x0;
	s2 =	sshll.u32 s0, $0x7  }
0x4: {  	s12 =	simm.s32 $0x0;
	s3 =	sshll.u32 s1, $0x8;
	s4 =	sand.u32 $0x80, s2  }
0x5: {  	s0 =	rddreg [dreg:$0x1];
	_ =	strace $0x80000050;
	s3 =	sor.u32 s3, s4  }
0x6: {  	s2 =	sadd.s32 $0x148E00, s5;
	[sflag:s6] =	ssyncpa.u1 $0x0;
	s8 =	ssub.s32 $0x2000, s3  }
.Ltmp0:
0x7: {  	s4 =	sadd.s32 $0x148A00, s5;
	s7 =	sand.u32 $0xF80, s8;
	(pc) =	sbr.rel .LBB2_1-.Ltmp0, $4  }
0x8: {  	s5 =	sadd.s32 $0x120E00, s5;
	s11 =	smov.u32 s3;
	p0 =	sne.s32 s7, $0x0  }
0x9: {  	s8 =	sshrl.u32 s8, $0xC;
	s7 =	simm.s32 $0x2;
	s9 =	simm.s32 @!p0 $0x0  }
0xa: {  	[sflag:s7] =	ssyncpa.u1 $0x0;
	p0 =	por $0x0, $0x0;
	s8 =	sadd.s32 s9, s8  }
0xb: {  	vm0 =	vmmov $0xffff;
	[sflag:s10] =	ssyncpa.u1 $0x0;
	s10 =	simm.s32 $0x0;
	s9 =	sadd.s32 $0x1, s8  }
.LBB2_4:
0xc: {  	v6 =	vand.u32 $0x7F, v4;
	v3 =	vsel vm1, $0xFFF40000, v3  }
0xd: {  	v5 =	vmul.u32 $0xC00, v5;
	vm1 =	vmmov vm2;
	v56 =	vshll.u32 v4, $0x3  }
0xe: {  	v7 =	vand.u32 $0x3, v1;
	v2 =	vshll.u32 v2, $0x7;
	v57 =	vshrl.u32 v1, $0x2  }
0xf: {  	v58 =	vshrl.u32 v1, $0xD;
	v3 =	vor.u32 v3, v6;
	v4 =	vand.u32 $0xFFFFFC00, v56  }
0x10: {  	v2 =	vand.u32 $0x380, v2;
	v3 =	vadd.s32 v5, v3;
	v5 =	vand.u32 $0x7FF, v57  }
0x11: {  	v1 =	vand.u32 $0x1FF, v58;
	v59 =	vmul.u32 $0xC0000, v7;
	v5 =	vsel vm1, $0xFFFFFFFF, v5  }
0x12: {  	v1 =	vsel vm1, $0xFFFFFFFF, v1;
	v3 =	vadd.s32 v4, v3;
	v60 =	vshrl.u32 v5, $0x3  }
0x13: {  	v61 =	vand.u32 $0x7F, v1;
	v6 =	vsel vm1, $0xFFF40000, v59;
	v4 =	vmul.u32 $0xC00, v60  }
0x14: {  	v1 =	vshll.u32 v1, $0x3;
	v2 =	vor.u32 v2, v3;
	v62 =	vor.u32 v6, v61  }
0x15: {  	v1 =	vand.u32 $0xFFFFFC00, v1;
	v5 =	vshll.u32 v5, $0x7;
	v3 =	vadd.s32 v4, v62  }
0x16: {  	v63 =	vand.u32 $0x380, v5;
	v1 =	vadd.s32 v1, v3  }
0x17: {  	(ifvalue) =	ssetifvalue $0x7FFFFFFF;
	s15 =	sadd.s32 $0x10, s15;
	v1 =	vor.u32 v63, v1  }
0x18: {  	[tilespmem:s15], [sflag:$0x1] =	stream.indirect_vreg.gather [hbm4b:s2+s10], $0x1, v0, vm0, $0x4038;
	[tilespmem:$0x200] =	vst v63  }
0x19: {  	(ifvalue) =	ssetifvalue $0x7FFFFFFF;
	s15 =	sadd.s32 $0x10, s15  }
0x1a: {  	[tilespmem:s15], [sflag:$0x1] =	stream.indirect_vreg.gather [hbm4b:s2+s10], $0x1, v2, vm0, $0x4038;
	[tilespmem:$0x200] =	vst v63  }
0x1b: {  	(ifvalue) =	ssetifvalue $0x7FFFFFFF;
	s15 =	sadd.s32 $0x10, s15  }
0x1c: {  	[tilespmem:s15], [sflag:$0x1] =	stream.indirect_vreg.gather [hbm4b:s2+s10], $0x1, v1, vm0, $0x4038;
	[tilespmem:$0x200] =	vst v63  }
0x1d: {  	_ =	swait.ge [sflag:s6], $0x80  }
0x1e: {  	s30 =	sshrl.u32 s13, $0x3;
	[sflag:s6] =	ssyncset.done $0x0  }
0x1f: {  	s31 =	sand.u32 $0x7, s13;
	s15 =	sadd.s32 s5, s30;
	[sflag:s6] =	ssyncadd.s32 $0xFFFFFF80  }
0x20: {  	[hbm4b:s15+s31] =	stream.linear.scatter [tilespmem:s14], [sflag:$0x3], $0x80, $0x38;
	[tilespmem:$0x200] =	vst v63  }
.LBB2_5:
0x21: {  	s15 =	sadd.s32 $0x1000, s11  }
0x22: {  	p2 =	sgt.s32 s15, $0x1FFF  }
0x23: {  	s15 =	smov.u32 @p2 s3;
	p2 =	sne.s32 s12, s9  }
.Ltmp1:
0x24: {  	p1 =	slt.u32 s12, $0x2;
	(pc) =	sbr.rel @!p2 .LBB2_6-.Ltmp1, $4  }
0x25: {  	s14 =	simm.s32 @!p1 $0x3  }
0x26: {  	s16 =	sadd.s32 $0x1, s12;
	_ =	swait.ge @!p1 [sflag:s14], $0x80  }
0x27: {  	s13 =	smov.u32 s11;
	p0 =	por !p0, !p0;
	[sflag:s14] =	ssyncset.done @!p1 $0x0  }
0x28: {  	s12 =	smov.u32 s16;
	s11 =	smov.u32 s15;
	[sflag:s14] =	ssyncadd.s32 @!p1 $0xFFFFFF80  }
.LBB2_1:
0x29: {  	p1 =	sge.u32 s12, s8  }
0x2a: {  	s14 =	sxor.u32 @!p1 $0xFFFFFFFF, s12  }
0x2b: {  	s31 =	sadd.s32 $0xFFFFFFFF, s12;
	s15 =	sshrl.u32 @!p1 s11, $0x3;
	s14 =	sshll.u32 @!p1 s14, $0x7  }
0x2c: {  	s16 =	sand.u32 @!p1 $0x7, s11;
	s15 =	sadd.s32 @!p1 s4, s15;
	s14 =	sand.u32 @!p1 $0x80, s14  }
0x2d: {  	[tilespmem:s14], [sflag:$0x2] =	stream.linear.gather @!p1 [hbm4b:s15+s16], $0x80, $0x38;
	[tilespmem:$0x200] =	vst v63  }
0x2e: {  	p1 =	sge.u32 s31, s8  }
.Ltmp2:
0x2f: {  	_ = 	snop;
	(pc) =	sbr.rel @p1 .LBB2_5-.Ltmp2, $1  }
0x30: {  	_ =	sdelay $0x3  }
0x31: {  	s14 =	simm.s32 $0x1  }
0x32: {  	_ =	swait.ge [sflag:s7], $0x80;
	s14 =	simm.s32 @!p0 $0x0  }
0x33: {  	[sflag:s7] =	ssyncset.done $0x0;
	s14 =	sshll.u32 s14, $0x7  }
0x34: {  	[sflag:s7] =	ssyncadd.s32 $0xFFFFFF80;
	(ifvalue) =	ssetifvalue $0x7FFFFFFF;
	v0 =	vld.msk [tilespmem:s14+$0x0 ss:$0x1], $0xffff;
	_ =	sdelay $0x1  }
0x35: {  	s15 =	sadd.s32 $0x10, s14  }
0x36: {  	v1 =	vld.msk [tilespmem:s15+$0x0 ss:$0x1], $0xffff;
	s15 =	sadd.s32 $0x10, s15  }
0x37: {  	v6 =	vld.msk [tilespmem:s15+$0x0 ss:$0x1], $0xffff  }
0x38: {  	vm1 =	veq.s32 v0, $0x80000000;
	v2 =	vand.u32 $0x3, v0  }
0x39: {  	v3 =	vshrl.u32 v0, $0x2;
	v0 =	vshrl.u32 v0, $0xD;
	vm1 =	vmmov vm1  }
0x3a: {  	v3 =	vand.u32 $0x7FF, v3;
	v0 =	vand.u32 $0x1FF, v0;
	v2 =	vmul.u32 $0xC0000, v2  }
0x3b: {  	vm2 =	veq.s32 v1, $0x80000000;
	v7 =	vand.u32 $0x3, v1;
	v3 =	vsel vm1, $0xFFFFFFFF, v3  }
0x3c: {  	v0 =	vsel vm1, $0xFFFFFFFF, v0;
	v8 =	vand.u32 $0x3, v6;
	v4 =	vshrl.u32 v3, $0x3  }
0x3d: {  	v5 =	vand.u32 $0x7F, v0;
	v2 =	vsel vm1, $0xFFF40000, v2;
	vm1 =	vmmov vm2  }
0x3e: {  	v0 =	vshll.u32 v0, $0x3;
	v3 =	vshll.u32 v3, $0x7;
	v4 =	vmul.u32 $0xC00, v4  }
0x3f: {  	v2 =	vor.u32 v2, v5;
	v0 =	vand.u32 $0xFFFFFC00, v0;
	v3 =	vand.u32 $0x380, v3  }
0x40: {  	v2 =	vadd.s32 v4, v2;
	v4 =	vshrl.u32 v1, $0x2;
	v1 =	vshrl.u32 v1, $0xD  }
0x41: {  	v0 =	vadd.s32 v0, v2;
	v2 =	vand.u32 $0x7FF, v4;
	v1 =	vand.u32 $0x1FF, v1  }
0x42: {  	v0 =	vor.u32 v3, v0;
	v2 =	vsel vm1, $0xFFFFFFFF, v2;
	v3 =	vmul.u32 $0xC0000, v7  }
0x43: {  	vm2 =	veq.s32 v6, $0x80000000;
	v4 =	vsel vm1, $0xFFFFFFFF, v1;
	v1 =	vshrl.u32 v2, $0x3  }
0x44: {  	s17 =	sadd.s32 $0x10, s15;
	v5 =	vand.u32 $0x7F, v4;
	v3 =	vsel vm1, $0xFFF40000, v3;
	v7 =	vmul.u32 $0xC00, v1  }
0x45: {  	v4 =	vshll.u32 v4, $0x3;
	v2 =	vshll.u32 v2, $0x7;
	v1 =	vld.msk [tilespmem:s17+$0x0 ss:$0x1], $0xffff;
	v3 =	vor.u32 v3, v5  }
0x46: {  	vm1 =	vmmov vm2;
	v4 =	vand.u32 $0xFFFFFC00, v4;
	v3 =	vadd.s32 v7, v3  }
0x47: {  	s31 =	sshll.u32 s12, $0x7;
	s15 =	sor.u32 $0x100, s14;
	(ifvalue) =	ssetifvalue $0x7FFFFFFF;
	v2 =	vand.u32 $0x380, v2;
	v5 =	vshrl.u32 v6, $0x2;
	v3 =	vadd.s32 v4, v3  }
0x48: {  	[tilespmem:s15], [sflag:$0x1] =	stream.indirect_vreg.gather [hbm4b:s2+s10], $0x1, v0, vm0, $0x4038;
	v4 =	vand.u32 $0x7FF, v5;
	v5 =	vshrl.u32 v6, $0xD;
	v0 =	vor.u32 v2, v3;
	[tilespmem:$0x200] =	vst v63  }
0x49: {  	s14 =	sand.u32 $0x80, s31;
	v2 =	vsel vm1, $0xFFFFFFFF, v4;
	v4 =	vand.u32 $0x1FF, v5;
	v3 =	vmul.u32 $0xC0000, v8  }
0x4a: {  	s16 =	simm.s32 $0x30;
	s14 =	sor.u32 $0x100, s14;
	s17 =	sadd.s32 $0x10, s17;
	vm2 =	veq.s32 v1, $0x80000000;
	v4 =	vsel vm1, $0xFFFFFFFF, v4;
	v5 =	vshrl.u32 v2, $0x3  }
.LBB2_3:
0x4b: {  	v7 =	vand.u32 $0x7F, v4  }
0x4c: {  	v6 =	vld.msk [tilespmem:s17+$0x0 ss:$0x1], $0xffff;
	v3 =	vsel vm1, $0xFFF40000, v3;
	v5 =	vmul.u32 $0xC00, v5;
	vm1 =	vmmov vm2;
	s16 =	sadd.s32 $0x10, s16  }
0x4d: {  	v8 =	vand.u32 $0x3, v1;
	v4 =	vshll.u32 v4, $0x3;
	s15 =	sadd.s32 $0x10, s15;
	v3 =	vor.u32 v3, v7;
	(ifvalue) =	ssetifvalue $0x7FFFFFFF;
	p1 =	slt.u32 s16, $0x70  }
0x4e: {  	[tilespmem:s15], [sflag:$0x1] =	stream.indirect_vreg.gather [hbm4b:s2+s10], $0x1, v0, vm0, $0x4038;
	[tilespmem:$0x200] =	vst v63  }
.Ltmp3:
0x4f: {  	v2 =	vshll.u32 v2, $0x7;
	v4 =	vand.u32 $0xFFFFFC00, v4;
	v3 =	vadd.s32 v5, v3;
	(pc) =	sbr.rel @p1 .LBB2_3-.Ltmp3, $4  }
0x50: {  	v2 =	vand.u32 $0x380, v2;
	v0 =	vshrl.u32 v1, $0x2;
	v3 =	vadd.s32 v4, v3  }
0x51: {  	v9 =	vshrl.u32 v1, $0xD;
	v4 =	vand.u32 $0x7FF, v0;
	v0 =	vor.u32 v2, v3  }
0x52: {  	v7 =	vand.u32 $0x1FF, v9;
	v2 =	vsel vm1, $0xFFFFFFFF, v4;
	v3 =	vmul.u32 $0xC0000, v8  }
0x53: {  	s17 =	sadd.s32 $0x10, s17;
	v4 =	vsel vm1, $0xFFFFFFFF, v7;
	vm2 =	veq.s32 v6, $0x80000000;
	v5 =	vshrl.u32 v2, $0x3;
	v1 =	vmovc v6  }
.Ltmp4:
0x54: {  	_ = 	snop;
	(pc) =	sbr.rel .LBB2_4-.Ltmp4, $1  }
0x55: {  	_ =	sdelay $0x3  }
.LBB2_6:
0x56: {  	_ =	sfence.sel $0x180000  }
0x57: {  	s2 =	simm.s32 $0x2;
	[bflag:$0x0] =	sbarrier.arrive $0xFFFF  }
0x58: {  	s30 =	simm.s32 $0x3;
	[sflag:s2] =	ssyncpa.u1 $0x1  }
0x59: {  	s31 =	simm.s32 $0x1;
	[sflag:s30] =	ssyncpa.u1 $0x1  }
0x5a: {  	[sflag:s31] =	ssyncpa.u1 $0x1  }
0x5b: {  	p0 =	sne.s32 s1, $0x0;
	_ =	strace $0x90000050  }
0x5c: {  	s0 =	sadd.s32 @!p0 $0x100000, s0;
	[bflag:$0x2] =	sbarrier.arrive $0xFFFF  }
0x5d: {  	[sflag:s0] =	ssyncadd.tile.s32 @!p0 $0x1;
	_ =	shalt  }
.Lfunc_end2:
_tile_overlayer_lowered:
.L_overlay_start_2:
0x5e: {  	(tag) =	ssettag $0x2  }
0x5f: {  	s0 =	rddreg [dreg:$0x0];
	s2 =	stileid.u32  }
0x60: {  	s1 =	rddreg [dreg:$0x1];
	p0 =	sne.s32 s2, $0x0  }
0x61: {  	s3 =	rddreg [dreg:$0x2];
	[bflag:$0x3] =	sbarrier.arrive $0xFFFF;
	s2 =	simm.s32 @!p0 $0x1C01  }
0x62: {  	[timem:s3], [sflag:s2] =	dma.local @!p0 [hbm:s0], s1  }
0x63: {  	s0 =	simm.s32 @!p0 $0x1  }
0x64: {  	_ =	swait.ge @!p0 [sflag:s0], s1  }
0x65: {  	s1 =	ssub.s32 @!p0 $0x0, s1;
	[sflag:s0] =	ssyncset.done @!p0 $0x0  }
0x66: {  	[sflag:s0] =	ssyncadd.s32 @!p0 s1  }
0x67: {  	[bflag:$0x3] =	sbarrier.arrive $0xFFFF  }
0x68: {  	_ =	shalt  }

// kernel: gather_offload_async_start.3
scs
__scs_entry_jumppad:
0x0: {  	(pc) =	sbr.rel $0x88, $3  }
0x1: {  	(tag) =	ssettag $0x0;
	lr =	simm.s32 $0x1  }
0x2: {  	[smem:$0x3F93] =	sst lr;
	_ =	strace $0xD0000000  }
0x3: {  	_ = 	snop  }
0x4: {  	_ = 	snop  }
0x5: {  	_ = 	snop  }
0x6: {  	_ = 	snop  }
0x7: {  	_ = 	snop  }
__scs_overlays_trampoline_lowered:
0x8: {  	[smem:$0x3FA2] =	sst s0  }
0x9: {  	[smem:$0x3FA3] =	sst s1  }
0xa: {  	[smem:$0x3FA4] =	sst s2  }
0xb: {  	[smem:$0x3FA5] =	sst s3  }
0xc: {  	[smem:$0x3FA6] =	sst s4  }
0xd: {  	[smem:$0x3FA7] =	sst s5  }
0xe: {  	[smem:$0x3FA8] =	sst s6  }
0xf: {  	[smem:$0x3FA9] =	sst s7  }
0x10: {  	[smem:$0x3FAA] =	sst s8  }
0x11: {  	[smem:$0x3FAB] =	sst s9;
	s0 =	simm.s32 @!p0 $0x0  }
0x12: {  	s1 =	sld [smem:$0x3F91];
	s0 =	simm.s32 @p0 $0x1  }
0x13: {  	[smem:$0x3FAC] =	sst s0;
	s0 =	simm.s32 @!p1 $0x0  }
0x14: {  	s2 =	sld [smem:$0x3F90];
	s0 =	simm.s32 @p1 $0x1  }
0x15: {  	[smem:$0x3FAD] =	sst s0;
	s0 =	simm.s32 @!p2 $0x0  }
0x16: {  	s3 =	sld [smem:$0x3FDB];
	s0 =	simm.s32 @p2 $0x1  }
0x17: {  	s4 =	simm.s32 $0x1BF5;
	[smem:$0x3FAF] =	sst s0  }
0x18: {  	s0 =	sld [smem:$0x3F92];
	_ =	swait.ge [sflag:s4], $0x0  }
0x19: {  	s7 =	sld [smem:$0x3F93]  }
0x1a: {  	s8 =	sadd.s32 $0xFFFFE003, lr  }
0x1b: {  	s9 =	sadd.s32 $0xFFFFFEF7, lr;
	s5 =	simm.s32 $0xFFFFFFFF;
	p2 =	slt.u32 s8, $0xFFFFF086  }
0x1c: {  	p1 =	slt.u32 s9, $0xF7A;
	s5 =	simm.s32 @!p2 $0x0  }
0x1d: {  	s5 =	simm.s32 @p1 $0x1;
	p0 =	seq.s32 s7, s2  }
0x1e: {  	s7 =	smul.u32 @!p0 $0xF7A, s2;
	p2 =	seq.s32 @!p0 s5, $0x0  }
0x1f: {  	s9 =	smul.u32 $0xF7A, s1;
	s8 =	simm.s32 @!p0 $0x1BF5;
	p2 =	por !p2, p0  }
0x20: {  	[sflag:s8] =	ssyncset.s32 @!p0 $0xFFFFF086;
	s6 =	sadd.s32 @!p0 s3, s7;
	s7 =	simm.s32 @!p0 $0x108  }
0x21: {  	s3 =	sadd.s32 s3, s9;
	s6 =	sadd.s32 @!p0 $0x88, s6;
	s7 =	simm.s32 @p2 $0x1082  }
0x22: {  	[simem:s7], [sflag:s8] =	dma.local @!p0 [hbm:s6], $0xF7A  }
0x23: {  	s9 =	sor.u32 $0xD0000000, s2;
	s6 =	simm.s32 $0x108;
	_ =	swait.ge @!p0 [sflag:s8], $0x0  }
0x24: {  	s3 =	sadd.s32 $0x88, s3;
	s6 =	simm.s32 @!p1 $0x1082;
	[sflag:s4] =	ssyncset.s32 $0xFFFFF086  }
0x25: {  	[simem:s6], [sflag:s4] =	dma.local [hbm:s3], $0xF7A  }
0x26: {  	[smem:$0x3F93] =	sst s1;
	(tag) =	ssettag s2;
	_ =	strace s9  }
0x27: {  	s1 =	sld [smem:$0x3FA3]  }
0x28: {  	s2 =	sld [smem:$0x3FA4]  }
0x29: {  	s4 =	sld [smem:$0x3FA6]  }
0x2a: {  	p0 =	seq.s32 s5, $0x0;
	s5 =	sld [smem:$0x3FA7]  }
0x2b: {  	s6 =	sld [smem:$0x3FA8]  }
0x2c: {  	s7 =	sld [smem:$0x3FA9]  }
0x2d: {  	s3 =	simm.s32 $0x108;
	s8 =	sld [smem:$0x3FAA]  }
0x2e: {  	s3 =	simm.s32 @!p0 $0x1082;
	s9 =	sld [smem:$0x3FAB]  }
0x2f: {  	lr =	sadd.s32 s0, s3;
	s0 =	sld [smem:$0x3FA2]  }
0x30: {  	s3 =	sld [smem:$0x3FA5]  }
0x31: {  	[smem:$0x3FAE] =	sst s10  }
0x32: {  	s10 =	sld [smem:$0x3FAC];
	_ =	sdelay $0x3  }
0x33: {  	p0 =	seq.s32 s10, $0x1;
	s10 =	sld [smem:$0x3FAE];
	_ =	sdelay $0x3  }
0x34: {  	[smem:$0x3FAE] =	sst s10  }
0x35: {  	s10 =	sld [smem:$0x3FAD];
	_ =	sdelay $0x3  }
0x36: {  	p1 =	seq.s32 s10, $0x1;
	s10 =	sld [smem:$0x3FAE];
	_ =	sdelay $0x3  }
0x37: {  	[smem:$0x3FAE] =	sst s10  }
0x38: {  	s10 =	sld [smem:$0x3FAF]  }
0x39: {  	_ = 	snop;
	(pc) =	sbr.ind lr, $3  }
0x3a: {  	_ = 	snop  }
0x3b: {  	_ = 	snop  }
0x3c: {  	p2 =	seq.s32 s10, $0x1;
	s10 =	sld [smem:$0x3FAE]  }
0x3d: {  	_ =	shalt  }
0x3e: {  	_ =	shalt  }
0x3f: {  	_ =	shalt  }
0x40: {  	_ =	shalt  }
0x41: {  	_ =	shalt  }
0x42: {  	_ =	shalt  }
0x43: {  	_ =	shalt  }
0x44: {  	_ =	shalt  }
0x45: {  	_ =	shalt  }
0x46: {  	_ =	shalt  }
0x47: {  	_ =	shalt  }
0x48: {  	_ =	shalt  }
0x49: {  	_ =	shalt  }
0x4a: {  	_ =	shalt  }
0x4b: {  	_ =	shalt  }
0x4c: {  	_ =	shalt  }
0x4d: {  	_ =	shalt  }
0x4e: {  	_ =	shalt  }
0x4f: {  	_ =	shalt  }
0x50: {  	_ =	shalt  }
0x51: {  	_ =	shalt  }
0x52: {  	_ =	shalt  }
0x53: {  	_ =	shalt  }
0x54: {  	_ =	shalt  }
0x55: {  	_ =	shalt  }
0x56: {  	_ =	shalt  }
0x57: {  	_ =	shalt  }
0x58: {  	_ =	shalt  }
0x59: {  	_ =	shalt  }
0x5a: {  	_ =	shalt  }
0x5b: {  	_ =	shalt  }
0x5c: {  	_ =	shalt  }
0x5d: {  	_ =	shalt  }
0x5e: {  	_ =	shalt  }
0x5f: {  	_ =	shalt  }
0x60: {  	_ =	shalt  }
0x61: {  	_ =	shalt  }
0x62: {  	_ =	shalt  }
0x63: {  	_ =	shalt  }
0x64: {  	_ =	shalt  }
0x65: {  	_ =	shalt  }
0x66: {  	_ =	shalt  }
0x67: {  	_ =	shalt  }
0x68: {  	_ =	shalt  }
0x69: {  	_ =	shalt  }
0x6a: {  	_ =	shalt  }
0x6b: {  	_ =	shalt  }
0x6c: {  	_ =	shalt  }
0x6d: {  	_ =	shalt  }
0x6e: {  	_ =	shalt  }
0x6f: {  	_ =	shalt  }
0x70: {  	_ =	shalt  }
0x71: {  	_ =	shalt  }
0x72: {  	_ =	shalt  }
0x73: {  	_ =	shalt  }
0x74: {  	_ =	shalt  }
0x75: {  	_ =	shalt  }
0x76: {  	_ =	shalt  }
0x77: {  	_ =	shalt  }
0x78: {  	_ =	shalt  }
0x79: {  	_ =	shalt  }
0x7a: {  	_ =	shalt  }
0x7b: {  	_ =	shalt  }
0x7c: {  	_ =	shalt  }
0x7d: {  	_ =	shalt  }
0x7e: {  	_ =	shalt  }
0x7f: {  	_ =	shalt  }
0x80: {  	_ =	shalt  }
0x81: {  	_ =	shalt  }
0x82: {  	_ =	shalt  }
0x83: {  	_ =	shalt  }
0x84: {  	_ =	shalt  }
0x85: {  	_ =	shalt  }
0x86: {  	_ =	shalt  }
0x87: {  	_ =	shalt  }
.Lfunc_end0:
.L_simem_size_0:
called_computation.3_lowered:
.L_overlay_start_0:
0x88: {  	s2 =	sld [smem:$0x3FD9]  }
0x89: {  	s3 =	sld [smem:$0x3FFE];
	_ =	sdelay $0x1  }
0x8a: {  	s1 =	srdreg.scid  }
0x8b: {  	s0 =	sand.u32 $0x1, s1  }
0x8c: {  	s16 =	sshll.u32 s0, $0xA;
	s2 =	sadd.s32 s3, s2  }
0x8d: {  	s2 =	sadd.s32 s2, s16  }
0x8e: {  	[smem:$0x3FBA] =	sst s2  }
0x8f: {  	_ = 	snop  }
0x90: {  	(tm) =	ssettm $0x1  }
0x91: {  	s17 =	sld [smem:$0x3FFB];
	_ =	sdelay $0x3  }
0x92: {  	_ =	strace s17  }
0x93: {  	s2 =	sld [smem:$0x3FFC];
	_ =	sdelay $0x3  }
0x94: {  	_ =	strace s2  }
0x95: {  	s2 =	sld [smem:$0x3FFD];
	_ =	sdelay $0x3  }
0x96: {  	_ =	strace s2  }
0x97: {  	_ =	strace $0x8FFFFFFF  }
0x98: {  	s18 =	sld [smem:$0x3FDB];
	_ =	sdelay $0x1  }
0x99: {  	s19 =	simm.s32 $_scs_section_size  }
0x9a: {  	s4 =	simm.s32 $_size__tile_overlayer_lowered;
	s5 =	simm.s32 $_tile_overlayer_lowered  }
0x9b: {  	s22 =	simm.s32 $0x1BFF;
	s21 =	sshll.u32 s5, $0x1;
	s2 =	sadd.s32 s19, s18  }
0x9c: {  	s6 =	simm.s32 $0x0;
	s20 =	sshll.u32 s4, $0x1;
	s4 =	sadd.s32 s21, s2  }
0x9d: {  	[timem:s6], [sflag:s22] =	dma.local [hbm:s4], s20  }
0x9e: {  	_ =	swait.ge [sflag:s22], s20  }
0x9f: {  	s3 =	ssub.s32 $0x0, s20;
	[sflag:s22] =	ssyncset.done $0x0  }
0xa0: {  	[sflag:s22] =	ssyncadd.s32 s3;
	_ =	sdelay $0x1  }
0xa1: {  	s23 =	simm.s32 $0x1B8B  }
0xa2: {  	_ =	swait.ge [sflag:s23], $0x1  }
0xa3: {  	[sflag:s23] =	ssyncset.done $0x0  }
0xa4: {  	s25 =	simm.s32 $0x1B8E;
	s24 =	sld [smem:$0x3FFE];
	[sflag:s23] =	ssyncadd.s32 $0xFFFFFFFF  }
0xa5: {  	s26 =	simm.s32 $execute0_lowered;
	[smem:$0x3FD2] =	sst s25  }
0xa6: {  	s4 =	sshll.u32 s26, $0x1;
	_ =	strace $0x80000046;
	[dreg:$0x1] =	wrdreg $0xFFFFFFFF  }
0xa7: {  	s28 =	simm.s32 $_size_execute0_lowered;
	s2 =	sadd.s32 s2, s4;
	[dreg:$0x0] =	wrdreg $0x0  }
0xa8: {  	s4 =	sshll.u32 s28, $0x1;
	[dreg:$0x2] =	wrdreg s2  }
0xa9: {  	[dreg:$0x3] =	wrdreg s4  }
0xaa: {  	[dreg:$0x4] =	wrdreg $0xC0  }
0xab: {  	_ =	task [dreg:s6], $0x5FFFF  }
0xac: {  	[dreg:$0x1] =	wrdreg $0xFFFFFFFF  }
0xad: {  	[dreg:$0x0] =	wrdreg $0x60  }
0xae: {  	[dreg:$0x2] =	wrdreg s24  }
0xaf: {  	[dreg:$0x3] =	wrdreg $0x9  }
0xb0: {  	_ =	task.clear_ibuf [dreg:s6], $0x4FFFF;
	_ =	strace $0x90000046  }
0xb1: {  	s29 =	simm.s32 $0x9;
	_ =	strace $0x80000048  }
0xb2: {  	_ =	swait.ge [sflag:s29], $0x1  }
0xb3: {  	[sflag:s29] =	ssyncadd.s32 $0xFFFFFFFF  }
0xb4: {  	_ =	strace $0x90000048  }
0xb5: {  	_ =	sfence  }
0xb6: {  	s30 =	sld [smem:$0x0];
	_ =	sdelay $0x2  }
0xb7: {  	s31 =	sshll.u32 s1, $0xD;
	s1 =	sshrl.u32 s1, $0x2  }
0xb8: {  	s3 =	sand.u32 $0x4000, s31;
	s1 =	sadd.s32 s1, s30  }
0xb9: {  	s0 =	sor.u32 s3, s0;
	s1 =	sshll.u32 s1, $0x11  }
0xba: {  	s0 =	sor.u32 s1, s0  }
0xbb: {  	s0 =	sadd.s32 $0x8F2B, s0  }
0xbc: {  	[sflag:s0] =	ssyncadd.remote.s32 $0x1  }
0xbd: {  	_ =	sfence.sel $0xFFFF  }
0xbe: {  	[dreg:$0x0] =	wrdreg $0xFFFFFFFF;
	(pc) =	sbr.abs _section_cstart, $3  }
0xbf: {  	[dreg:$0x1] =	wrdreg $0xFFFFFFFF  }
0xc0: {  	_ =	task.clear_ibuf [dreg:s6], $0x2FFFF;
	_ =	strace $0x9FFFFFFF  }
0xc1: {  	(tm) =	ssettm $0x7FFFFFFF  }
tec
execute0_lowered:
.L_overlay_start_1:
0x0: {  	(tag) =	ssettag $0x1  }
0x1: {  	s2 =	rddreg [dreg:$0x0]  }
0x2: {  	s0 =	rddreg [dreg:$0x1]  }
0x3: {  	s1 =	srdreg.scid;
	_ =	strace $0x80000047;
	s4 =	simm.s32 $0x1  }
0x4: {  	s9 =	simm.s32 $0x3;
	s12 =	simm.s32 $0x0;
	s5 =	sshll.u32 s1, $0x4  }
.Ltmp0:
0x5: {  	s1 =	stileid.u32;
	s5 =	sand.u32 $0x10, s5;
	(pc) =	sbr.rel .LBB2_1-.Ltmp0, $4  }
0x6: {  	s10 =	simm.s32 $0x0;
	s3 =	sadd.s32 $0x20600, s2;
	s6 =	sor.u32 s1, s5  }
0x7: {  	[sflag:s4] =	ssyncpa.u1 $0x0;
	s5 =	simm.s32 $0x2;
	s6 =	sshll.u32 s6, $0x6  }
0x8: {  	s7 =	sadd.s32 $0x20800, s2;
	[sflag:s5] =	ssyncpa.u1 $0x0;
	s8 =	sadd.s32 $0x40, s6  }
0x9: {  	vm0 =	vmmov $0xff;
	vm1 =	vcmask $0x3F20;
	[sflag:s9] =	ssyncpa.u1 $0x0;
	s9 =	simm.s32 $0x40;
	s11 =	smov.u32 s6  }
.LBB2_9:
0xa: {  	p0 =	seq.s32 s10, $0x2  }
.Ltmp1:
0xb: {  	_ = 	snop;
	(pc) =	sbr.rel @p0 .LBB2_11-.Ltmp1, $1  }
0xc: {  	_ =	sdelay $0x3  }
.LBB2_10:
0xd: {  	s12 =	sadd.s32 $0x40, s11  }
0xe: {  	s13 =	smov.u32 s6;
	p0 =	slt.s32 s12, s8  }
0xf: {  	s13 =	smov.u32 @p0 s12  }
0x10: {  	s10 =	sadd.s32 $0x1, s10;
	s12 =	smov.u32 s11;
	s11 =	smov.u32 s13  }
.LBB2_1:
0x11: {  	p0 =	sne.s32 s10, $0x0  }
.Ltmp2:
0x12: {  	_ = 	snop;
	(pc) =	sbr.rel @!p0 .LBB2_2-.Ltmp2, $1  }
0x13: {  	_ =	sdelay $0x3  }
0x14: {  	s13 =	sand.u32 $0x1, s10  }
0x15: {  	p0 =	seq.s32 s13, $0x0  }
.Ltmp3:
0x16: {  	_ = 	snop;
	(pc) =	sbr.rel @p0 .LBB2_9-.Ltmp3, $1  }
0x17: {  	_ =	sdelay $0x3  }
0x18: {  	_ =	swait.ge [sflag:s5], $0x40  }
0x19: {  	[sflag:s5] =	ssyncset.done $0x0  }
0x1a: {  	s13 =	simm.s32 $0x0;
	[sflag:s5] =	ssyncadd.s32 $0xFFFFFFC0  }
0x1b: {  	v0 =	vld.msk [tilespmem:s13+$0x40 ss:$0x1], $0xffff;
	_ =	sdelay $0x4  }
0x1c: {  	v1 =	vshll.u32 v0, $0x5  }
0x1d: {  	vm2 =	veq.s32 v0, $0x80000000;
	v0 =	vshll.u32 v0, $0x12;
	v1 =	vand.u32 $0x3FF80, v1  }
0x1e: {  	v0 =	vand.u32 $0xC0000, v0;
	v1 =	vsel vm2, $0xFFFFFF80, v1  }
0x1f: {  	v0 =	vsel vm2, $0xFFFC0000, v0;
	v2 =	vand.u32 $0xFFFFFC00, v1  }
0x20: {  	v1 =	vand.u32 $0x380, v1;
	v0 =	vadd.s32 v0, v2  }
0x21: {  	v0 =	vor.u32 v1, v0  }
0x22: {  	v0 =	vshrl.u32 v0, $0x3;
	_ =	sdelay $0x3  }
0x23: {  	s13 =	simm.s32 $0x2080  }
0x24: {  	[tilespmem:s13], [sflag:$0x1] =	stream.indirect_vreg.gather [hbm:s2], $0x80, v0, vm0, $0x38;
	[tilespmem:$0x4080] =	vst v63  }
0x25: {  	s14 =	simm.s32 $0x2480;
	s31 =	simm.s32 $0x10  }
0x26: {  	[tilespmem:s14], [sflag:$0x1] =	stream.indirect_vreg.gather [hbm:s2], $0x80, v0, vm1, $0x38;
	[tilespmem:$0x4080] =	vst v63  }
0x27: {  	s14 =	simm.s32 $0x80;
	v0 =	vld.msk [tilespmem:s31+$0x40 ss:$0x1], $0xffff  }
.LBB2_5:
0x28: {  	p0 =	sne.s32 s14, $0xC0;
	_ =	sdelay $0x4  }
0x29: {  	v1 =	vshll.u32 v0, $0x5  }
0x2a: {  	vm2 =	veq.s32 v0, $0x80000000;
	v0 =	vshll.u32 v0, $0x12;
	v1 =	vand.u32 $0x3FF80, v1  }
0x2b: {  	v0 =	vand.u32 $0xC0000, v0;
	v1 =	vsel vm2, $0xFFFFFF80, v1  }
0x2c: {  	v0 =	vsel vm2, $0xFFFC0000, v0;
	v2 =	vand.u32 $0xFFFFFC00, v1  }
0x2d: {  	v1 =	vand.u32 $0x380, v1;
	v0 =	vadd.s32 v0, v2  }
0x2e: {  	v0 =	vor.u32 v1, v0  }
0x2f: {  	v0 =	vshrl.u32 v0, $0x3;
	_ =	sdelay $0x3  }
.Ltmp4:
0x30: {  	s13 =	sadd.s32 $0x800, s13;
	(pc) =	sbr.rel @p0 .LBB2_5-.Ltmp4, $4  }
0x31: {  	[tilespmem:s13], [sflag:$0x1] =	stream.indirect_vreg.gather [hbm:s2], $0x80, v0, vm0, $0x38;
	[tilespmem:$0x4080] =	vst v63  }
0x32: {  	s15 =	sshra.s32 s14, $0x2;
	s16 =	sadd.s32 $0x400, s13  }
0x33: {  	[tilespmem:s16], [sflag:$0x1] =	stream.indirect_vreg.gather [hbm:s2], $0x80, v0, vm1, $0x38;
	[tilespmem:$0x4080] =	vst v63  }
0x34: {  	s14 =	sadd.s32 $0x40, s14;
	v0 =	vld.msk [tilespmem:s15+$0x40 ss:$0x1], $0xffff  }
0x35: {  	_ =	sdelay $0x3  }
0x36: {  	v1 =	vshll.u32 v0, $0x5  }
0x37: {  	vm2 =	veq.s32 v0, $0x80000000;
	v63 =	vshll.u32 v0, $0x12;
	v1 =	vand.u32 $0x3FF80, v1  }
0x38: {  	v0 =	vand.u32 $0xC0000, v63;
	v1 =	vsel vm2, $0xFFFFFF80, v1  }
0x39: {  	v0 =	vsel vm2, $0xFFFC0000, v0;
	v2 =	vand.u32 $0xFFFFFC00, v1  }
0x3a: {  	v1 =	vand.u32 $0x380, v1;
	v0 =	vadd.s32 v0, v2  }
0x3b: {  	v0 =	vor.u32 v1, v0  }
0x3c: {  	v0 =	vshrl.u32 v0, $0x3;
	_ =	sdelay $0x3  }
0x3d: {  	s13 =	sadd.s32 $0x800, s13  }
0x3e: {  	[tilespmem:s13], [sflag:$0x1] =	stream.indirect_vreg.gather [hbm:s2], $0x80, v0, vm0, $0x38;
	[tilespmem:$0x4080] =	vst v63  }
0x3f: {  	s13 =	sadd.s32 $0x400, s13  }
0x40: {  	[tilespmem:s13], [sflag:$0x1] =	stream.indirect_vreg.gather [hbm:s2], $0x80, v0, vm1, $0x38;
	[tilespmem:$0x4080] =	vst v63  }
0x41: {  	s12 =	sshll.u32 s12, $0x4;
	s14 =	simm.s32 $0x80;
	_ =	swait.ge [sflag:s4], $0x2000  }
0x42: {  	s15 =	simm.s32 $0x2480;
	s12 =	sadd.s32 s12, s7;
	[sflag:s4] =	ssyncset.done $0x0  }
0x43: {  	s16 =	sadd.s32 $0x0, s12;
	s13 =	simm.s32 $0x2080;
	[sflag:s4] =	ssyncadd.s32 $0xFFFFE000  }
.LBB2_7:
0x44: {  	[hbm:s16] =	stream.linear.scatter [tilespmem:s13], [sflag:$0x3], $0x400, $0x38;
	[tilespmem:$0x4080] =	vst v63  }
0x45: {  	s16 =	smov.u32 s14;
	s13 =	smov.u32 s15;
	p0 =	sne.s32 s14, $0x380  }
.Ltmp5:
0x46: {  	s14 =	sadd.s32 $0x80, s14;
	(pc) =	sbr.rel @p0 .LBB2_7-.Ltmp5, $2  }
0x47: {  	_ =	sdelay $0x2  }
0x48: {  	s15 =	sadd.s32 $0x400, s15;
	s16 =	sadd.s32 s16, s12  }
.Ltmp6:
0x49: {  	(pc) =	sbr.rel .LBB2_9-.Ltmp6, $2  }
0x4a: {  	_ =	sdelay $0x2  }
0x4b: {  	[hbm:s16] =	stream.linear.scatter [tilespmem:s13], [sflag:$0x3], $0x400, $0x38;
	[tilespmem:$0x4080] =	vst v63  }
.LBB2_2:
.Ltmp7:
0x4c: {  	(pc) =	sbr.rel .LBB2_10-.Ltmp7, $4  }
0x4d: {  	_ = 	snop  }
0x4e: {  	s12 =	sshrl.u32 s11, $0x3  }
0x4f: {  	s13 =	sand.u32 $0x7, s11;
	s12 =	sadd.s32 s3, s12  }
0x50: {  	[tilespmem:s9], [sflag:$0x2] =	stream.linear.gather [hbm4b:s12+s13], $0x40, $0x38;
	[tilespmem:$0x4080] =	vst v63  }
.LBB2_11:
0x51: {  	s2 =	simm.s32 $0x3  }
0x52: {  	_ =	swait.ge [sflag:s2], $0x2000  }
0x53: {  	[sflag:s2] =	ssyncset.done $0x0  }
0x54: {  	[sflag:s2] =	ssyncadd.s32 $0xFFFFE000  }
0x55: {  	_ =	sfence.sel $0x180000  }
0x56: {  	s3 =	simm.s32 $0x2;
	[bflag:$0x0] =	sbarrier.arrive $0xFFFF  }
0x57: {  	[sflag:s3] =	ssyncpa.u1 $0x1  }
0x58: {  	s31 =	simm.s32 $0x1;
	[sflag:s2] =	ssyncpa.u1 $0x1  }
0x59: {  	[sflag:s31] =	ssyncpa.u1 $0x1  }
0x5a: {  	p0 =	sne.s32 s1, $0x0;
	_ =	strace $0x90000047  }
0x5b: {  	s0 =	sadd.s32 @!p0 $0x100000, s0;
	[bflag:$0x2] =	sbarrier.arrive $0xFFFF  }
0x5c: {  	[sflag:s0] =	ssyncadd.tile.s32 @!p0 $0x1;
	_ =	shalt  }
.Lfunc_end2:
_tile_overlayer_lowered:
.L_overlay_start_2:
0x5d: {  	(tag) =	ssettag $0x2  }
0x5e: {  	s0 =	rddreg [dreg:$0x0];
	s2 =	stileid.u32  }
0x5f: {  	s1 =	rddreg [dreg:$0x1];
	p0 =	sne.s32 s2, $0x0  }
0x60: {  	s3 =	rddreg [dreg:$0x2];
	[bflag:$0x3] =	sbarrier.arrive $0xFFFF;
	s2 =	simm.s32 @!p0 $0x1C01  }
0x61: {  	[timem:s3], [sflag:s2] =	dma.local @!p0 [hbm:s0], s1  }
0x62: {  	s0 =	simm.s32 @!p0 $0x1  }
0x63: {  	_ =	swait.ge @!p0 [sflag:s0], s1  }
0x64: {  	s1 =	ssub.s32 @!p0 $0x0, s1;
	[sflag:s0] =	ssyncset.done @!p0 $0x0  }
0x65: {  	[sflag:s0] =	ssyncadd.s32 @!p0 s1  }
0x66: {  	[bflag:$0x3] =	sbarrier.arrive $0xFFFF  }
0x67: {  	_ =	shalt  }

// kernel: gather_offload_async_start.4
scs
__scs_entry_jumppad:
0x0: {  	(pc) =	sbr.rel $0x88, $3  }
0x1: {  	(tag) =	ssettag $0x0;
	lr =	simm.s32 $0x1  }
0x2: {  	[smem:$0x3F93] =	sst lr;
	_ =	strace $0xD0000000  }
0x3: {  	_ = 	snop  }
0x4: {  	_ = 	snop  }
0x5: {  	_ = 	snop  }
0x6: {  	_ = 	snop  }
0x7: {  	_ = 	snop  }
__scs_overlays_trampoline_lowered:
0x8: {  	[smem:$0x3FA2] =	sst s0  }
0x9: {  	[smem:$0x3FA3] =	sst s1  }
0xa: {  	[smem:$0x3FA4] =	sst s2  }
0xb: {  	[smem:$0x3FA5] =	sst s3  }
0xc: {  	[smem:$0x3FA6] =	sst s4  }
0xd: {  	[smem:$0x3FA7] =	sst s5  }
0xe: {  	[smem:$0x3FA8] =	sst s6  }
0xf: {  	[smem:$0x3FA9] =	sst s7  }
0x10: {  	[smem:$0x3FAA] =	sst s8  }
0x11: {  	[smem:$0x3FAB] =	sst s9;
	s0 =	simm.s32 @!p0 $0x0  }
0x12: {  	s1 =	sld [smem:$0x3F91];
	s0 =	simm.s32 @p0 $0x1  }
0x13: {  	[smem:$0x3FAC] =	sst s0;
	s0 =	simm.s32 @!p1 $0x0  }
0x14: {  	s2 =	sld [smem:$0x3F90];
	s0 =	simm.s32 @p1 $0x1  }
0x15: {  	[smem:$0x3FAD] =	sst s0;
	s0 =	simm.s32 @!p2 $0x0  }
0x16: {  	s3 =	sld [smem:$0x3FDB];
	s0 =	simm.s32 @p2 $0x1  }
0x17: {  	s4 =	simm.s32 $0x1BF5;
	[smem:$0x3FAF] =	sst s0  }
0x18: {  	s0 =	sld [smem:$0x3F92];
	_ =	swait.ge [sflag:s4], $0x0  }
0x19: {  	s7 =	sld [smem:$0x3F93]  }
0x1a: {  	s8 =	sadd.s32 $0xFFFFE003, lr  }
0x1b: {  	s9 =	sadd.s32 $0xFFFFFEF7, lr;
	s5 =	simm.s32 $0xFFFFFFFF;
	p2 =	slt.u32 s8, $0xFFFFF086  }
0x1c: {  	p1 =	slt.u32 s9, $0xF7A;
	s5 =	simm.s32 @!p2 $0x0  }
0x1d: {  	s5 =	simm.s32 @p1 $0x1;
	p0 =	seq.s32 s7, s2  }
0x1e: {  	s7 =	smul.u32 @!p0 $0xF7A, s2;
	p2 =	seq.s32 @!p0 s5, $0x0  }
0x1f: {  	s9 =	smul.u32 $0xF7A, s1;
	s8 =	simm.s32 @!p0 $0x1BF5;
	p2 =	por !p2, p0  }
0x20: {  	[sflag:s8] =	ssyncset.s32 @!p0 $0xFFFFF086;
	s6 =	sadd.s32 @!p0 s3, s7;
	s7 =	simm.s32 @!p0 $0x108  }
0x21: {  	s3 =	sadd.s32 s3, s9;
	s6 =	sadd.s32 @!p0 $0x88, s6;
	s7 =	simm.s32 @p2 $0x1082  }
0x22: {  	[simem:s7], [sflag:s8] =	dma.local @!p0 [hbm:s6], $0xF7A  }
0x23: {  	s9 =	sor.u32 $0xD0000000, s2;
	s6 =	simm.s32 $0x108;
	_ =	swait.ge @!p0 [sflag:s8], $0x0  }
0x24: {  	s3 =	sadd.s32 $0x88, s3;
	s6 =	simm.s32 @!p1 $0x1082;
	[sflag:s4] =	ssyncset.s32 $0xFFFFF086  }
0x25: {  	[simem:s6], [sflag:s4] =	dma.local [hbm:s3], $0xF7A  }
0x26: {  	[smem:$0x3F93] =	sst s1;
	(tag) =	ssettag s2;
	_ =	strace s9  }
0x27: {  	s1 =	sld [smem:$0x3FA3]  }
0x28: {  	s2 =	sld [smem:$0x3FA4]  }
0x29: {  	s4 =	sld [smem:$0x3FA6]  }
0x2a: {  	p0 =	seq.s32 s5, $0x0;
	s5 =	sld [smem:$0x3FA7]  }
0x2b: {  	s6 =	sld [smem:$0x3FA8]  }
0x2c: {  	s7 =	sld [smem:$0x3FA9]  }
0x2d: {  	s3 =	simm.s32 $0x108;
	s8 =	sld [smem:$0x3FAA]  }
0x2e: {  	s3 =	simm.s32 @!p0 $0x1082;
	s9 =	sld [smem:$0x3FAB]  }
0x2f: {  	lr =	sadd.s32 s0, s3;
	s0 =	sld [smem:$0x3FA2]  }
0x30: {  	s3 =	sld [smem:$0x3FA5]  }
0x31: {  	[smem:$0x3FAE] =	sst s10  }
0x32: {  	s10 =	sld [smem:$0x3FAC];
	_ =	sdelay $0x3  }
0x33: {  	p0 =	seq.s32 s10, $0x1;
	s10 =	sld [smem:$0x3FAE];
	_ =	sdelay $0x3  }
0x34: {  	[smem:$0x3FAE] =	sst s10  }
0x35: {  	s10 =	sld [smem:$0x3FAD];
	_ =	sdelay $0x3  }
0x36: {  	p1 =	seq.s32 s10, $0x1;
	s10 =	sld [smem:$0x3FAE];
	_ =	sdelay $0x3  }
0x37: {  	[smem:$0x3FAE] =	sst s10  }
0x38: {  	s10 =	sld [smem:$0x3FAF]  }
0x39: {  	_ = 	snop;
	(pc) =	sbr.ind lr, $3  }
0x3a: {  	_ = 	snop  }
0x3b: {  	_ = 	snop  }
0x3c: {  	p2 =	seq.s32 s10, $0x1;
	s10 =	sld [smem:$0x3FAE]  }
0x3d: {  	_ =	shalt  }
0x3e: {  	_ =	shalt  }
0x3f: {  	_ =	shalt  }
0x40: {  	_ =	shalt  }
0x41: {  	_ =	shalt  }
0x42: {  	_ =	shalt  }
0x43: {  	_ =	shalt  }
0x44: {  	_ =	shalt  }
0x45: {  	_ =	shalt  }
0x46: {  	_ =	shalt  }
0x47: {  	_ =	shalt  }
0x48: {  	_ =	shalt  }
0x49: {  	_ =	shalt  }
0x4a: {  	_ =	shalt  }
0x4b: {  	_ =	shalt  }
0x4c: {  	_ =	shalt  }
0x4d: {  	_ =	shalt  }
0x4e: {  	_ =	shalt  }
0x4f: {  	_ =	shalt  }
0x50: {  	_ =	shalt  }
0x51: {  	_ =	shalt  }
0x52: {  	_ =	shalt  }
0x53: {  	_ =	shalt  }
0x54: {  	_ =	shalt  }
0x55: {  	_ =	shalt  }
0x56: {  	_ =	shalt  }
0x57: {  	_ =	shalt  }
0x58: {  	_ =	shalt  }
0x59: {  	_ =	shalt  }
0x5a: {  	_ =	shalt  }
0x5b: {  	_ =	shalt  }
0x5c: {  	_ =	shalt  }
0x5d: {  	_ =	shalt  }
0x5e: {  	_ =	shalt  }
0x5f: {  	_ =	shalt  }
0x60: {  	_ =	shalt  }
0x61: {  	_ =	shalt  }
0x62: {  	_ =	shalt  }
0x63: {  	_ =	shalt  }
0x64: {  	_ =	shalt  }
0x65: {  	_ =	shalt  }
0x66: {  	_ =	shalt  }
0x67: {  	_ =	shalt  }
0x68: {  	_ =	shalt  }
0x69: {  	_ =	shalt  }
0x6a: {  	_ =	shalt  }
0x6b: {  	_ =	shalt  }
0x6c: {  	_ =	shalt  }
0x6d: {  	_ =	shalt  }
0x6e: {  	_ =	shalt  }
0x6f: {  	_ =	shalt  }
0x70: {  	_ =	shalt  }
0x71: {  	_ =	shalt  }
0x72: {  	_ =	shalt  }
0x73: {  	_ =	shalt  }
0x74: {  	_ =	shalt  }
0x75: {  	_ =	shalt  }
0x76: {  	_ =	shalt  }
0x77: {  	_ =	shalt  }
0x78: {  	_ =	shalt  }
0x79: {  	_ =	shalt  }
0x7a: {  	_ =	shalt  }
0x7b: {  	_ =	shalt  }
0x7c: {  	_ =	shalt  }
0x7d: {  	_ =	shalt  }
0x7e: {  	_ =	shalt  }
0x7f: {  	_ =	shalt  }
0x80: {  	_ =	shalt  }
0x81: {  	_ =	shalt  }
0x82: {  	_ =	shalt  }
0x83: {  	_ =	shalt  }
0x84: {  	_ =	shalt  }
0x85: {  	_ =	shalt  }
0x86: {  	_ =	shalt  }
0x87: {  	_ =	shalt  }
.Lfunc_end0:
.L_simem_size_0:
called_computation.4_lowered:
.L_overlay_start_0:
0x88: {  	s2 =	sld [smem:$0x3FD9]  }
0x89: {  	s3 =	sld [smem:$0x3FFE];
	_ =	sdelay $0x1  }
0x8a: {  	s1 =	srdreg.scid  }
0x8b: {  	s0 =	sand.u32 $0x1, s1  }
0x8c: {  	s14 =	sshll.u32 s0, $0xA;
	s2 =	sadd.s32 s3, s2  }
0x8d: {  	s2 =	sadd.s32 s2, s14  }
0x8e: {  	[smem:$0x3FBA] =	sst s2  }
0x8f: {  	_ = 	snop  }
0x90: {  	s2 =	sld [smem:$0x3FD0];
	_ =	sdelay $0x2  }
0x91: {  	s15 =	simm.s32 $0xA;
	s4 =	simm.s32 $0x10  }
0x92: {  	[smem:s4], [sflag:s15] =	dma.local [hbm:s2], $0x1  }
0x93: {  	_ =	swait.eq [sflag:s15], $0x1  }
0x94: {  	[sflag:s15] =	ssyncset.done $0x0  }
0x95: {  	[sflag:s15] =	ssyncadd.s32 $0xFFFFFFFF  }
0x96: {  	s16 =	sld [smem:$0x11];
	(tm) =	ssettm $0x1  }
0x97: {  	s17 =	sld [smem:$0x3FFB];
	_ =	sdelay $0x3  }
0x98: {  	_ =	strace s17  }
0x99: {  	s3 =	sld [smem:$0x3FFC];
	_ =	sdelay $0x3  }
0x9a: {  	_ =	strace s3  }
0x9b: {  	s3 =	sld [smem:$0x3FFD];
	_ =	sdelay $0x3  }
0x9c: {  	_ =	strace s3  }
0x9d: {  	_ =	strace $0x8FFFFFFF  }
0x9e: {  	s18 =	sld [smem:$0x3FDB];
	_ =	sdelay $0x1  }
0x9f: {  	s19 =	simm.s32 $_scs_section_size  }
0xa0: {  	s5 =	simm.s32 $_size__tile_overlayer_lowered;
	s6 =	simm.s32 $_tile_overlayer_lowered  }
0xa1: {  	s22 =	simm.s32 $0x1BFF;
	s21 =	sshll.u32 s6, $0x1;
	s3 =	sadd.s32 s19, s18  }
0xa2: {  	s7 =	simm.s32 $0x0;
	s20 =	sshll.u32 s5, $0x1;
	s5 =	sadd.s32 s21, s3  }
0xa3: {  	[timem:s7], [sflag:s22] =	dma.local [hbm:s5], s20  }
0xa4: {  	_ =	swait.ge [sflag:s22], s20  }
0xa5: {  	s4 =	ssub.s32 $0x0, s20;
	[sflag:s22] =	ssyncset.done $0x0  }
0xa6: {  	[sflag:s22] =	ssyncadd.s32 s4;
	_ =	sdelay $0x1  }
0xa7: {  	s23 =	simm.s32 $0x1B8B  }
0xa8: {  	_ =	swait.ge [sflag:s23], $0x1  }
0xa9: {  	[sflag:s23] =	ssyncset.done $0x0  }
0xaa: {  	s25 =	simm.s32 $0x1B8E;
	s24 =	sld [smem:$0x3FFE];
	[sflag:s23] =	ssyncadd.s32 $0xFFFFFFFF  }
0xab: {  	s26 =	simm.s32 $execute0_lowered;
	[smem:$0x3FD2] =	sst s25  }
0xac: {  	s5 =	sshll.u32 s26, $0x1;
	_ =	strace $0x80000049;
	[dreg:$0x1] =	wrdreg $0xFFFFFFFF  }
0xad: {  	s28 =	simm.s32 $_size_execute0_lowered;
	s3 =	sadd.s32 s3, s5;
	[dreg:$0x0] =	wrdreg $0x0  }
0xae: {  	s5 =	sshll.u32 s28, $0x1;
	[dreg:$0x2] =	wrdreg s3  }
0xaf: {  	[dreg:$0x3] =	wrdreg s5  }
0xb0: {  	[dreg:$0x4] =	wrdreg $0xC0  }
0xb1: {  	_ =	task [dreg:s7], $0x5FFFF  }
0xb2: {  	[dreg:$0x1] =	wrdreg $0xFFFFFFFF  }
0xb3: {  	[dreg:$0x0] =	wrdreg $0x60  }
0xb4: {  	[dreg:$0x2] =	wrdreg s24  }
0xb5: {  	[dreg:$0x3] =	wrdreg s16  }
0xb6: {  	[dreg:$0x4] =	wrdreg $0x9  }
0xb7: {  	_ =	task.clear_ibuf [dreg:s7], $0x5FFFF;
	_ =	strace $0x90000049  }
0xb8: {  	s29 =	simm.s32 $0x9;
	_ =	strace $0x8000004B  }
0xb9: {  	_ =	swait.ge [sflag:s29], $0x1  }
0xba: {  	[sflag:s29] =	ssyncadd.s32 $0xFFFFFFFF  }
0xbb: {  	_ =	strace $0x9000004B  }
0xbc: {  	_ =	sfence  }
0xbd: {  	s30 =	sld [smem:$0x0];
	_ =	sdelay $0x2  }
0xbe: {  	s31 =	sshll.u32 s1, $0xD;
	s1 =	sshrl.u32 s1, $0x2  }
0xbf: {  	s3 =	sand.u32 $0x4000, s31;
	s1 =	sadd.s32 s1, s30  }
0xc0: {  	s0 =	sor.u32 s3, s0;
	s1 =	sshll.u32 s1, $0x11  }
0xc1: {  	s0 =	sor.u32 s1, s0  }
0xc2: {  	s0 =	sadd.s32 $0x8F2B, s0  }
0xc3: {  	[sflag:s0] =	ssyncadd.remote.s32 $0x1  }
0xc4: {  	_ =	sfence.sel $0xFFFF  }
0xc5: {  	[dreg:$0x0] =	wrdreg $0xFFFFFFFF;
	(pc) =	sbr.abs _section_cstart, $3  }
0xc6: {  	[dreg:$0x1] =	wrdreg $0xFFFFFFFF  }
0xc7: {  	_ =	task.clear_ibuf [dreg:s7], $0x2FFFF;
	_ =	strace $0x9FFFFFFF  }
0xc8: {  	(tm) =	ssettm $0x7FFFFFFF  }
0xc9: {  	_ =	shalt  }
tec
execute0_lowered:
.L_overlay_start_1:
0x0: {  	(tag) =	ssettag $0x1  }
0x1: {  	s7 =	rddreg [dreg:$0x0]  }
0x2: {  	s2 =	rddreg [dreg:$0x1]  }
0x3: {  	s0 =	rddreg [dreg:$0x2]  }
0x4: {  	s1 =	srdreg.scid;
	_ =	strace $0x8000004A;
	s4 =	simm.s32 $0x1  }
0x5: {  	s9 =	simm.s32 $0x3;
	s12 =	simm.s32 $0x0;
	s5 =	sshll.u32 s1, $0x4  }
.Ltmp0:
0x6: {  	s1 =	stileid.u32;
	s5 =	sand.u32 $0x10, s5;
	(pc) =	sbr.rel .LBB2_1-.Ltmp0, $4  }
0x7: {  	s10 =	simm.s32 $0x0;
	s3 =	sadd.s32 $0x28800, s7;
	s6 =	sor.u32 s1, s5  }
0x8: {  	[sflag:s4] =	ssyncpa.u1 $0x0;
	s5 =	simm.s32 $0x2;
	s6 =	sshll.u32 s6, $0x6  }
0x9: {  	s7 =	sadd.s32 $0x20600, s7;
	[sflag:s5] =	ssyncpa.u1 $0x0;
	s8 =	sadd.s32 $0x40, s6  }
0xa: {  	vm0 =	vmmov $0xff;
	vm1 =	vcmask $0x3F20;
	[sflag:s9] =	ssyncpa.u1 $0x0;
	s9 =	simm.s32 $0x40;
	s11 =	smov.u32 s6  }
.LBB2_9:
0xb: {  	p0 =	seq.s32 s10, $0x2  }
.Ltmp1:
0xc: {  	_ = 	snop;
	(pc) =	sbr.rel @p0 .LBB2_11-.Ltmp1, $1  }
0xd: {  	_ =	sdelay $0x3  }
.LBB2_10:
0xe: {  	s12 =	sadd.s32 $0x40, s11  }
0xf: {  	s13 =	smov.u32 s6;
	p0 =	slt.s32 s12, s8  }
0x10: {  	s13 =	smov.u32 @p0 s12  }
0x11: {  	s10 =	sadd.s32 $0x1, s10;
	s12 =	smov.u32 s11;
	s11 =	smov.u32 s13  }
.LBB2_1:
0x12: {  	p0 =	sne.s32 s10, $0x0  }
.Ltmp2:
0x13: {  	_ = 	snop;
	(pc) =	sbr.rel @!p0 .LBB2_2-.Ltmp2, $1  }
0x14: {  	_ =	sdelay $0x3  }
0x15: {  	s13 =	sand.u32 $0x1, s10  }
0x16: {  	p0 =	seq.s32 s13, $0x0  }
.Ltmp3:
0x17: {  	_ = 	snop;
	(pc) =	sbr.rel @p0 .LBB2_9-.Ltmp3, $1  }
0x18: {  	_ =	sdelay $0x3  }
0x19: {  	_ =	swait.ge [sflag:s5], $0x40  }
0x1a: {  	[sflag:s5] =	ssyncset.done $0x0  }
0x1b: {  	s13 =	simm.s32 $0x0;
	[sflag:s5] =	ssyncadd.s32 $0xFFFFFFC0  }
0x1c: {  	v0 =	vld.msk [tilespmem:s13+$0x40 ss:$0x1], $0xffff;
	_ =	sdelay $0x4  }
0x1d: {  	v1 =	vshll.u32 v0, $0x5  }
0x1e: {  	vm2 =	veq.s32 v0, $0x80000000;
	v0 =	vshll.u32 v0, $0x12;
	v1 =	vand.u32 $0x3FF80, v1  }
0x1f: {  	v0 =	vand.u32 $0xC0000, v0;
	v1 =	vsel vm2, $0xFFFFFF80, v1  }
0x20: {  	v0 =	vsel vm2, $0xFFFC0000, v0;
	v2 =	vand.u32 $0xFFFFFC00, v1  }
0x21: {  	v1 =	vand.u32 $0x380, v1;
	v0 =	vadd.s32 v0, v2  }
0x22: {  	v0 =	vor.u32 v1, v0  }
0x23: {  	v0 =	vshrl.u32 v0, $0x3;
	_ =	sdelay $0x3  }
0x24: {  	s13 =	simm.s32 $0x2080  }
0x25: {  	[tilespmem:s13], [sflag:$0x1] =	stream.indirect_vreg.gather [hbm:s3], $0x80, v0, vm0, $0x38;
	[tilespmem:$0x4080] =	vst v63  }
0x26: {  	s14 =	simm.s32 $0x2480;
	s31 =	simm.s32 $0x10  }
0x27: {  	[tilespmem:s14], [sflag:$0x1] =	stream.indirect_vreg.gather [hbm:s3], $0x80, v0, vm1, $0x38;
	[tilespmem:$0x4080] =	vst v63  }
0x28: {  	s14 =	simm.s32 $0x80;
	v0 =	vld.msk [tilespmem:s31+$0x40 ss:$0x1], $0xffff  }
.LBB2_5:
0x29: {  	p0 =	sne.s32 s14, $0xC0;
	_ =	sdelay $0x4  }
0x2a: {  	v1 =	vshll.u32 v0, $0x5  }
0x2b: {  	vm2 =	veq.s32 v0, $0x80000000;
	v0 =	vshll.u32 v0, $0x12;
	v1 =	vand.u32 $0x3FF80, v1  }
0x2c: {  	v0 =	vand.u32 $0xC0000, v0;
	v1 =	vsel vm2, $0xFFFFFF80, v1  }
0x2d: {  	v0 =	vsel vm2, $0xFFFC0000, v0;
	v2 =	vand.u32 $0xFFFFFC00, v1  }
0x2e: {  	v1 =	vand.u32 $0x380, v1;
	v0 =	vadd.s32 v0, v2  }
0x2f: {  	v0 =	vor.u32 v1, v0  }
0x30: {  	v0 =	vshrl.u32 v0, $0x3;
	_ =	sdelay $0x3  }
.Ltmp4:
0x31: {  	s13 =	sadd.s32 $0x800, s13;
	(pc) =	sbr.rel @p0 .LBB2_5-.Ltmp4, $4  }
0x32: {  	[tilespmem:s13], [sflag:$0x1] =	stream.indirect_vreg.gather [hbm:s3], $0x80, v0, vm0, $0x38;
	[tilespmem:$0x4080] =	vst v63  }
0x33: {  	s15 =	sshra.s32 s14, $0x2;
	s16 =	sadd.s32 $0x400, s13  }
0x34: {  	[tilespmem:s16], [sflag:$0x1] =	stream.indirect_vreg.gather [hbm:s3], $0x80, v0, vm1, $0x38;
	[tilespmem:$0x4080] =	vst v63  }
0x35: {  	s14 =	sadd.s32 $0x40, s14;
	v0 =	vld.msk [tilespmem:s15+$0x40 ss:$0x1], $0xffff  }
0x36: {  	_ =	sdelay $0x3  }
0x37: {  	v1 =	vshll.u32 v0, $0x5  }
0x38: {  	vm2 =	veq.s32 v0, $0x80000000;
	v63 =	vshll.u32 v0, $0x12;
	v1 =	vand.u32 $0x3FF80, v1  }
0x39: {  	v0 =	vand.u32 $0xC0000, v63;
	v1 =	vsel vm2, $0xFFFFFF80, v1  }
0x3a: {  	v0 =	vsel vm2, $0xFFFC0000, v0;
	v2 =	vand.u32 $0xFFFFFC00, v1  }
0x3b: {  	v1 =	vand.u32 $0x380, v1;
	v0 =	vadd.s32 v0, v2  }
0x3c: {  	v0 =	vor.u32 v1, v0  }
0x3d: {  	v0 =	vshrl.u32 v0, $0x3;
	_ =	sdelay $0x3  }
0x3e: {  	s13 =	sadd.s32 $0x800, s13  }
0x3f: {  	[tilespmem:s13], [sflag:$0x1] =	stream.indirect_vreg.gather [hbm:s3], $0x80, v0, vm0, $0x38;
	[tilespmem:$0x4080] =	vst v63  }
0x40: {  	s13 =	sadd.s32 $0x400, s13  }
0x41: {  	[tilespmem:s13], [sflag:$0x1] =	stream.indirect_vreg.gather [hbm:s3], $0x80, v0, vm1, $0x38;
	[tilespmem:$0x4080] =	vst v63  }
0x42: {  	s12 =	sshll.u32 s12, $0x4;
	s14 =	simm.s32 $0x80;
	_ =	swait.ge [sflag:s4], $0x2000  }
0x43: {  	s15 =	simm.s32 $0x2480;
	s12 =	sadd.s32 s12, s2;
	[sflag:s4] =	ssyncset.done $0x0  }
0x44: {  	s16 =	sadd.s32 $0x0, s12;
	s13 =	simm.s32 $0x2080;
	[sflag:s4] =	ssyncadd.s32 $0xFFFFE000  }
.LBB2_7:
0x45: {  	[hbm:s16] =	stream.linear.scatter [tilespmem:s13], [sflag:$0x3], $0x400, $0x38;
	[tilespmem:$0x4080] =	vst v63  }
0x46: {  	s16 =	smov.u32 s14;
	s13 =	smov.u32 s15;
	p0 =	sne.s32 s14, $0x380  }
.Ltmp5:
0x47: {  	s14 =	sadd.s32 $0x80, s14;
	(pc) =	sbr.rel @p0 .LBB2_7-.Ltmp5, $2  }
0x48: {  	_ =	sdelay $0x2  }
0x49: {  	s15 =	sadd.s32 $0x400, s15;
	s16 =	sadd.s32 s16, s12  }
.Ltmp6:
0x4a: {  	(pc) =	sbr.rel .LBB2_9-.Ltmp6, $2  }
0x4b: {  	_ =	sdelay $0x2  }
0x4c: {  	[hbm:s16] =	stream.linear.scatter [tilespmem:s13], [sflag:$0x3], $0x400, $0x38;
	[tilespmem:$0x4080] =	vst v63  }
.LBB2_2:
.Ltmp7:
0x4d: {  	(pc) =	sbr.rel .LBB2_10-.Ltmp7, $4  }
0x4e: {  	_ = 	snop  }
0x4f: {  	s12 =	sshrl.u32 s11, $0x3  }
0x50: {  	s13 =	sand.u32 $0x7, s11;
	s12 =	sadd.s32 s7, s12  }
0x51: {  	[tilespmem:s9], [sflag:$0x2] =	stream.linear.gather [hbm4b:s12+s13], $0x40, $0x38;
	[tilespmem:$0x4080] =	vst v63  }
.LBB2_11:
0x52: {  	s2 =	simm.s32 $0x3  }
0x53: {  	_ =	swait.ge [sflag:s2], $0x2000  }
0x54: {  	[sflag:s2] =	ssyncset.done $0x0  }
0x55: {  	[sflag:s2] =	ssyncadd.s32 $0xFFFFE000  }
0x56: {  	_ =	sfence.sel $0x180000  }
0x57: {  	s3 =	simm.s32 $0x2;
	[bflag:$0x0] =	sbarrier.arrive $0xFFFF  }
0x58: {  	[sflag:s3] =	ssyncpa.u1 $0x1  }
0x59: {  	s31 =	simm.s32 $0x1;
	[sflag:s2] =	ssyncpa.u1 $0x1  }
0x5a: {  	[sflag:s31] =	ssyncpa.u1 $0x1  }
0x5b: {  	p0 =	sne.s32 s1, $0x0;
	_ =	strace $0x9000004A  }
0x5c: {  	s0 =	sadd.s32 @!p0 $0x100000, s0;
	[bflag:$0x2] =	sbarrier.arrive $0xFFFF  }
0x5d: {  	[sflag:s0] =	ssyncadd.tile.s32 @!p0 $0x1;
	_ =	shalt  }
.Lfunc_end2:
_tile_overlayer_lowered:
.L_overlay_start_2:
0x5e: {  	(tag) =	ssettag $0x2  }
0x5f: {  	s0 =	rddreg [dreg:$0x0];
	s2 =	stileid.u32  }
0x60: {  	s1 =	rddreg [dreg:$0x1];
	p0 =	sne.s32 s2, $0x0  }
0x61: {  	s3 =	rddreg [dreg:$0x2];
	[bflag:$0x3] =	sbarrier.arrive $0xFFFF;
	s2 =	simm.s32 @!p0 $0x1C01  }
0x62: {  	[timem:s3], [sflag:s2] =	dma.local @!p0 [hbm:s0], s1  }
0x63: {  	s0 =	simm.s32 @!p0 $0x1  }
0x64: {  	_ =	swait.ge @!p0 [sflag:s0], s1  }
0x65: {  	s1 =	ssub.s32 @!p0 $0x0, s1;
	[sflag:s0] =	ssyncset.done @!p0 $0x0  }
0x66: {  	[sflag:s0] =	ssyncadd.s32 @!p0 s1  }
0x67: {  	[bflag:$0x3] =	sbarrier.arrive $0xFFFF  }
0x68: {  	_ =	shalt  }

// kernel: gather_offload_async_start
scs
__scs_entry_jumppad:
0x0: {  	(pc) =	sbr.rel $0x88, $3  }
0x1: {  	(tag) =	ssettag $0x0;
	lr =	simm.s32 $0x1  }
0x2: {  	[smem:$0x3F93] =	sst lr;
	_ =	strace $0xD0000000  }
0x3: {  	_ = 	snop  }
0x4: {  	_ = 	snop  }
0x5: {  	_ = 	snop  }
0x6: {  	_ = 	snop  }
0x7: {  	_ = 	snop  }
__scs_overlays_trampoline_lowered:
0x8: {  	[smem:$0x3FA2] =	sst s0  }
0x9: {  	[smem:$0x3FA3] =	sst s1  }
0xa: {  	[smem:$0x3FA4] =	sst s2  }
0xb: {  	[smem:$0x3FA5] =	sst s3  }
0xc: {  	[smem:$0x3FA6] =	sst s4  }
0xd: {  	[smem:$0x3FA7] =	sst s5  }
0xe: {  	[smem:$0x3FA8] =	sst s6  }
0xf: {  	[smem:$0x3FA9] =	sst s7  }
0x10: {  	[smem:$0x3FAA] =	sst s8  }
0x11: {  	[smem:$0x3FAB] =	sst s9;
	s0 =	simm.s32 @!p0 $0x0  }
0x12: {  	s1 =	sld [smem:$0x3F91];
	s0 =	simm.s32 @p0 $0x1  }
0x13: {  	[smem:$0x3FAC] =	sst s0;
	s0 =	simm.s32 @!p1 $0x0  }
0x14: {  	s2 =	sld [smem:$0x3F90];
	s0 =	simm.s32 @p1 $0x1  }
0x15: {  	[smem:$0x3FAD] =	sst s0;
	s0 =	simm.s32 @!p2 $0x0  }
0x16: {  	s3 =	sld [smem:$0x3FDB];
	s0 =	simm.s32 @p2 $0x1  }
0x17: {  	s4 =	simm.s32 $0x1BF5;
	[smem:$0x3FAF] =	sst s0  }
0x18: {  	s0 =	sld [smem:$0x3F92];
	_ =	swait.ge [sflag:s4], $0x0  }
0x19: {  	s7 =	sld [smem:$0x3F93]  }
0x1a: {  	s8 =	sadd.s32 $0xFFFFE003, lr  }
0x1b: {  	s9 =	sadd.s32 $0xFFFFFEF7, lr;
	s5 =	simm.s32 $0xFFFFFFFF;
	p2 =	slt.u32 s8, $0xFFFFF086  }
0x1c: {  	p1 =	slt.u32 s9, $0xF7A;
	s5 =	simm.s32 @!p2 $0x0  }
0x1d: {  	s5 =	simm.s32 @p1 $0x1;
	p0 =	seq.s32 s7, s2  }
0x1e: {  	s7 =	smul.u32 @!p0 $0xF7A, s2;
	p2 =	seq.s32 @!p0 s5, $0x0  }
0x1f: {  	s9 =	smul.u32 $0xF7A, s1;
	s8 =	simm.s32 @!p0 $0x1BF5;
	p2 =	por !p2, p0  }
0x20: {  	[sflag:s8] =	ssyncset.s32 @!p0 $0xFFFFF086;
	s6 =	sadd.s32 @!p0 s3, s7;
	s7 =	simm.s32 @!p0 $0x108  }
0x21: {  	s3 =	sadd.s32 s3, s9;
	s6 =	sadd.s32 @!p0 $0x88, s6;
	s7 =	simm.s32 @p2 $0x1082  }
0x22: {  	[simem:s7], [sflag:s8] =	dma.local @!p0 [hbm:s6], $0xF7A  }
0x23: {  	s9 =	sor.u32 $0xD0000000, s2;
	s6 =	simm.s32 $0x108;
	_ =	swait.ge @!p0 [sflag:s8], $0x0  }
0x24: {  	s3 =	sadd.s32 $0x88, s3;
	s6 =	simm.s32 @!p1 $0x1082;
	[sflag:s4] =	ssyncset.s32 $0xFFFFF086  }
0x25: {  	[simem:s6], [sflag:s4] =	dma.local [hbm:s3], $0xF7A  }
0x26: {  	[smem:$0x3F93] =	sst s1;
	(tag) =	ssettag s2;
	_ =	strace s9  }
0x27: {  	s1 =	sld [smem:$0x3FA3]  }
0x28: {  	s2 =	sld [smem:$0x3FA4]  }
0x29: {  	s4 =	sld [smem:$0x3FA6]  }
0x2a: {  	p0 =	seq.s32 s5, $0x0;
	s5 =	sld [smem:$0x3FA7]  }
0x2b: {  	s6 =	sld [smem:$0x3FA8]  }
0x2c: {  	s7 =	sld [smem:$0x3FA9]  }
0x2d: {  	s3 =	simm.s32 $0x108;
	s8 =	sld [smem:$0x3FAA]  }
0x2e: {  	s3 =	simm.s32 @!p0 $0x1082;
	s9 =	sld [smem:$0x3FAB]  }
0x2f: {  	lr =	sadd.s32 s0, s3;
	s0 =	sld [smem:$0x3FA2]  }
0x30: {  	s3 =	sld [smem:$0x3FA5]  }
0x31: {  	[smem:$0x3FAE] =	sst s10  }
0x32: {  	s10 =	sld [smem:$0x3FAC];
	_ =	sdelay $0x3  }
0x33: {  	p0 =	seq.s32 s10, $0x1;
	s10 =	sld [smem:$0x3FAE];
	_ =	sdelay $0x3  }
0x34: {  	[smem:$0x3FAE] =	sst s10  }
0x35: {  	s10 =	sld [smem:$0x3FAD];
	_ =	sdelay $0x3  }
0x36: {  	p1 =	seq.s32 s10, $0x1;
	s10 =	sld [smem:$0x3FAE];
	_ =	sdelay $0x3  }
0x37: {  	[smem:$0x3FAE] =	sst s10  }
0x38: {  	s10 =	sld [smem:$0x3FAF]  }
0x39: {  	_ = 	snop;
	(pc) =	sbr.ind lr, $3  }
0x3a: {  	_ = 	snop  }
0x3b: {  	_ = 	snop  }
0x3c: {  	p2 =	seq.s32 s10, $0x1;
	s10 =	sld [smem:$0x3FAE]  }
0x3d: {  	_ =	shalt  }
0x3e: {  	_ =	shalt  }
0x3f: {  	_ =	shalt  }
0x40: {  	_ =	shalt  }
0x41: {  	_ =	shalt  }
0x42: {  	_ =	shalt  }
0x43: {  	_ =	shalt  }
0x44: {  	_ =	shalt  }
0x45: {  	_ =	shalt  }
0x46: {  	_ =	shalt  }
0x47: {  	_ =	shalt  }
0x48: {  	_ =	shalt  }
0x49: {  	_ =	shalt  }
0x4a: {  	_ =	shalt  }
0x4b: {  	_ =	shalt  }
0x4c: {  	_ =	shalt  }
0x4d: {  	_ =	shalt  }
0x4e: {  	_ =	shalt  }
0x4f: {  	_ =	shalt  }
0x50: {  	_ =	shalt  }
0x51: {  	_ =	shalt  }
0x52: {  	_ =	shalt  }
0x53: {  	_ =	shalt  }
0x54: {  	_ =	shalt  }
0x55: {  	_ =	shalt  }
0x56: {  	_ =	shalt  }
0x57: {  	_ =	shalt  }
0x58: {  	_ =	shalt  }
0x59: {  	_ =	shalt  }
0x5a: {  	_ =	shalt  }
0x5b: {  	_ =	shalt  }
0x5c: {  	_ =	shalt  }
0x5d: {  	_ =	shalt  }
0x5e: {  	_ =	shalt  }
0x5f: {  	_ =	shalt  }
0x60: {  	_ =	shalt  }
0x61: {  	_ =	shalt  }
0x62: {  	_ =	shalt  }
0x63: {  	_ =	shalt  }
0x64: {  	_ =	shalt  }
0x65: {  	_ =	shalt  }
0x66: {  	_ =	shalt  }
0x67: {  	_ =	shalt  }
0x68: {  	_ =	shalt  }
0x69: {  	_ =	shalt  }
0x6a: {  	_ =	shalt  }
0x6b: {  	_ =	shalt  }
0x6c: {  	_ =	shalt  }
0x6d: {  	_ =	shalt  }
0x6e: {  	_ =	shalt  }
0x6f: {  	_ =	shalt  }
0x70: {  	_ =	shalt  }
0x71: {  	_ =	shalt  }
0x72: {  	_ =	shalt  }
0x73: {  	_ =	shalt  }
0x74: {  	_ =	shalt  }
0x75: {  	_ =	shalt  }
0x76: {  	_ =	shalt  }
0x77: {  	_ =	shalt  }
0x78: {  	_ =	shalt  }
0x79: {  	_ =	shalt  }
0x7a: {  	_ =	shalt  }
0x7b: {  	_ =	shalt  }
0x7c: {  	_ =	shalt  }
0x7d: {  	_ =	shalt  }
0x7e: {  	_ =	shalt  }
0x7f: {  	_ =	shalt  }
0x80: {  	_ =	shalt  }
0x81: {  	_ =	shalt  }
0x82: {  	_ =	shalt  }
0x83: {  	_ =	shalt  }
0x84: {  	_ =	shalt  }
0x85: {  	_ =	shalt  }
0x86: {  	_ =	shalt  }
0x87: {  	_ =	shalt  }
.Lfunc_end0:
.L_simem_size_0:
called_computation_lowered:
.L_overlay_start_0:
0x88: {  	s2 =	sld [smem:$0x3FD9]  }
0x89: {  	s3 =	sld [smem:$0x3FFE];
	_ =	sdelay $0x1  }
0x8a: {  	s1 =	srdreg.scid  }
0x8b: {  	s0 =	sand.u32 $0x1, s1  }
0x8c: {  	s16 =	sshll.u32 s0, $0xA;
	s2 =	sadd.s32 s3, s2  }
0x8d: {  	s2 =	sadd.s32 s2, s16  }
0x8e: {  	[smem:$0x3FBA] =	sst s2  }
0x8f: {  	_ = 	snop  }
0x90: {  	(tm) =	ssettm $0x1  }
0x91: {  	s17 =	sld [smem:$0x3FFB];
	_ =	sdelay $0x3  }
0x92: {  	_ =	strace s17  }
0x93: {  	s2 =	sld [smem:$0x3FFC];
	_ =	sdelay $0x3  }
0x94: {  	_ =	strace s2  }
0x95: {  	s2 =	sld [smem:$0x3FFD];
	_ =	sdelay $0x3  }
0x96: {  	_ =	strace s2  }
0x97: {  	_ =	strace $0x8FFFFFFF  }
0x98: {  	s18 =	sld [smem:$0x3FDB];
	_ =	sdelay $0x1  }
0x99: {  	s19 =	simm.s32 $_scs_section_size  }
0x9a: {  	s4 =	simm.s32 $_size__tile_overlayer_lowered;
	s5 =	simm.s32 $_tile_overlayer_lowered  }
0x9b: {  	s22 =	simm.s32 $0x1BFF;
	s21 =	sshll.u32 s5, $0x1;
	s2 =	sadd.s32 s19, s18  }
0x9c: {  	s6 =	simm.s32 $0x0;
	s20 =	sshll.u32 s4, $0x1;
	s4 =	sadd.s32 s21, s2  }
0x9d: {  	[timem:s6], [sflag:s22] =	dma.local [hbm:s4], s20  }
0x9e: {  	_ =	swait.ge [sflag:s22], s20  }
0x9f: {  	s3 =	ssub.s32 $0x0, s20;
	[sflag:s22] =	ssyncset.done $0x0  }
0xa0: {  	[sflag:s22] =	ssyncadd.s32 s3;
	_ =	sdelay $0x1  }
0xa1: {  	s23 =	simm.s32 $0x1B8B  }
0xa2: {  	_ =	swait.ge [sflag:s23], $0x1  }
0xa3: {  	[sflag:s23] =	ssyncset.done $0x0  }
0xa4: {  	s25 =	simm.s32 $0x1B8E;
	s24 =	sld [smem:$0x3FFE];
	[sflag:s23] =	ssyncadd.s32 $0xFFFFFFFF  }
0xa5: {  	s26 =	simm.s32 $execute0_lowered;
	[smem:$0x3FD2] =	sst s25  }
0xa6: {  	s4 =	sshll.u32 s26, $0x1;
	_ =	strace $0x8000004C;
	[dreg:$0x1] =	wrdreg $0xFFFFFFFF  }
0xa7: {  	s28 =	simm.s32 $_size_execute0_lowered;
	s2 =	sadd.s32 s2, s4;
	[dreg:$0x0] =	wrdreg $0x0  }
0xa8: {  	s4 =	sshll.u32 s28, $0x1;
	[dreg:$0x2] =	wrdreg s2  }
0xa9: {  	[dreg:$0x3] =	wrdreg s4  }
0xaa: {  	[dreg:$0x4] =	wrdreg $0xC0  }
0xab: {  	_ =	task [dreg:s6], $0x5FFFF  }
0xac: {  	[dreg:$0x1] =	wrdreg $0xFFFFFFFF  }
0xad: {  	[dreg:$0x0] =	wrdreg $0x60  }
0xae: {  	[dreg:$0x2] =	wrdreg s24  }
0xaf: {  	[dreg:$0x3] =	wrdreg $0x9  }
0xb0: {  	_ =	task.clear_ibuf [dreg:s6], $0x4FFFF;
	_ =	strace $0x9000004C  }
0xb1: {  	s29 =	simm.s32 $0x9;
	_ =	strace $0x8000004E  }
0xb2: {  	_ =	swait.ge [sflag:s29], $0x1  }
0xb3: {  	[sflag:s29] =	ssyncadd.s32 $0xFFFFFFFF  }
0xb4: {  	_ =	strace $0x9000004E  }
0xb5: {  	_ =	sfence  }
0xb6: {  	s30 =	sld [smem:$0x0];
	_ =	sdelay $0x2  }
0xb7: {  	s31 =	sshll.u32 s1, $0xD;
	s1 =	sshrl.u32 s1, $0x2  }
0xb8: {  	s3 =	sand.u32 $0x4000, s31;
	s1 =	sadd.s32 s1, s30  }
0xb9: {  	s0 =	sor.u32 s3, s0;
	s1 =	sshll.u32 s1, $0x11  }
0xba: {  	s0 =	sor.u32 s1, s0  }
0xbb: {  	s0 =	sadd.s32 $0x8F2B, s0  }
0xbc: {  	[sflag:s0] =	ssyncadd.remote.s32 $0x1  }
0xbd: {  	_ =	sfence.sel $0xFFFF  }
0xbe: {  	[dreg:$0x0] =	wrdreg $0xFFFFFFFF;
	(pc) =	sbr.abs _section_cstart, $3  }
0xbf: {  	[dreg:$0x1] =	wrdreg $0xFFFFFFFF  }
0xc0: {  	_ =	task.clear_ibuf [dreg:s6], $0x2FFFF;
	_ =	strace $0x9FFFFFFF  }
0xc1: {  	(tm) =	ssettm $0x7FFFFFFF  }
tec
execute0_lowered:
.L_overlay_start_1:
0x0: {  	(tag) =	ssettag $0x1  }
0x1: {  	s0 =	srdreg.scid;
	s5 =	rddreg [dreg:$0x0]  }
0x2: {  	s1 =	stileid.u32;
	s6 =	simm.s32 $0x1;
	s9 =	simm.s32 $0x1  }
0x3: {  	s10 =	simm.s32 $0x3;
	s13 =	simm.s32 $0x0;
	s2 =	sshll.u32 s0, $0xF  }
0x4: {  	s12 =	simm.s32 $0x0;
	s3 =	sshll.u32 s1, $0x10;
	s2 =	sand.u32 $0x8000, s2  }
0x5: {  	s0 =	rddreg [dreg:$0x1];
	_ =	strace $0x8000004D;
	s2 =	sor.u32 s3, s2  }
0x6: {  	s4 =	sadd.s32 $0xF8A00, s5;
	[sflag:s6] =	ssyncpa.u1 $0x0;
	s8 =	ssub.s32 $0x280000, s2  }
.Ltmp0:
0x7: {  	s3 =	sadd.s32 $0x420000, s5;
	s7 =	sand.u32 $0xF8000, s8;
	(pc) =	sbr.rel .LBB2_1-.Ltmp0, $4  }
0x8: {  	s5 =	sadd.s32 $0x148E00, s5;
	s11 =	smov.u32 s2;
	p0 =	sne.s32 s7, $0x0  }
0x9: {  	s8 =	sshrl.u32 s8, $0x14;
	s7 =	simm.s32 $0x2;
	s9 =	simm.s32 @!p0 $0x0  }
0xa: {  	[sflag:s7] =	ssyncpa.u1 $0x0;
	p0 =	por $0x0, $0x0;
	s8 =	sadd.s32 s9, s8  }
0xb: {  	vm0 =	vmmov $0xffff;
	[sflag:s10] =	ssyncpa.u1 $0x0;
	s10 =	simm.s32 $0x0;
	s9 =	sadd.s32 $0x1, s8  }
.LBB2_4:
0xc: {  	v3 =	vshrl.u32 v0, $0x2;
	v4 =	vshrl.u32 v0, $0xD;
	v1 =	vor.u32 v1, v2  }
0xd: {  	v61 =	vshll.u32 v0, $0x16;
	v59 =	vand.u32 $0x7FF, v3;
	v60 =	vand.u32 $0x7FF, v4  }
0xe: {  	v0 =	vand.u32 $0xC00000, v61;
	v2 =	vsel vm1, $0xFFFFFFFF, v59;
	v3 =	vsel vm1, $0xFFFFFFFF, v60  }
0xf: {  	v0 =	vsel vm1, $0xFFC00000, v0;
	v62 =	vand.u32 $0x7F, v3;
	v5 =	vshll.u32 v2, $0xB  }
0x10: {  	v3 =	vshll.u32 v3, $0x3;
	v5 =	vand.u32 $0xFFFFC000, v5;
	v0 =	vor.u32 v0, v62  }
0x11: {  	v2 =	vshll.u32 v2, $0x7;
	v3 =	vand.u32 $0xFFFFFC00, v3;
	v0 =	vadd.s32 v5, v0  }
0x12: {  	v2 =	vand.u32 $0x380, v2;
	v0 =	vadd.s32 v3, v0  }
0x13: {  	v0 =	vor.u32 v2, v0;
	_ =	sdelay $0x1  }
0x14: {  	(ifvalue) =	ssetifvalue $0x7FFFFFFF;
	s14 =	sadd.s32 $0x10, s14  }
0x15: {  	[tilespmem:s14], [sflag:$0x1] =	stream.indirect_vreg.gather [hbm4b:s3+s10], $0x1, v1, vm0, $0x4038;
	v63 =	vld [tilespmem:$0x0]  }
0x16: {  	(ifvalue) =	ssetifvalue $0x7FFFFFFF;
	s14 =	sadd.s32 $0x10, s14  }
0x17: {  	[tilespmem:s14], [sflag:$0x1] =	stream.indirect_vreg.gather [hbm4b:s3+s10], $0x1, v0, vm0, $0x4038;
	v63 =	vld [tilespmem:$0x0]  }
0x18: {  	_ =	swait.ge [sflag:s6], $0x8000  }
0x19: {  	s30 =	sshrl.u32 s13, $0x3;
	[sflag:s6] =	ssyncset.done $0x0  }
0x1a: {  	s31 =	sand.u32 $0x7, s13;
	s14 =	sadd.s32 s5, s30;
	[sflag:s6] =	ssyncadd.s32 $0xFFFF8000  }
0x1b: {  	[hbm4b:s14+s31] =	stream.linear.scatter [tilespmem:s15], [sflag:$0x3], $0x8000, $0x38;
	v63 =	vld [tilespmem:$0x0]  }
.LBB2_5:
0x1c: {  	s15 =	sadd.s32 $0x100000, s11  }
0x1d: {  	p2 =	sgt.s32 s15, $0x27FFFF  }
0x1e: {  	s15 =	smov.u32 @p2 s2;
	p2 =	sne.s32 s12, s9  }
.Ltmp1:
0x1f: {  	p1 =	slt.u32 s12, $0x2;
	(pc) =	sbr.rel @!p2 .LBB2_6-.Ltmp1, $4  }
0x20: {  	s14 =	simm.s32 @!p1 $0x3  }
0x21: {  	s16 =	sadd.s32 $0x1, s12;
	_ =	swait.ge @!p1 [sflag:s14], $0x8000  }
0x22: {  	s13 =	smov.u32 s11;
	p0 =	por !p0, !p0;
	[sflag:s14] =	ssyncset.done @!p1 $0x0  }
0x23: {  	s12 =	smov.u32 s16;
	s11 =	smov.u32 s15;
	[sflag:s14] =	ssyncadd.s32 @!p1 $0xFFFF8000  }
.LBB2_1:
0x24: {  	p1 =	sge.u32 s12, s8  }
0x25: {  	s14 =	sxor.u32 @!p1 $0xFFFFFFFF, s12  }
0x26: {  	s31 =	sadd.s32 $0xFFFFFFFF, s12;
	s15 =	sshrl.u32 @!p1 s11, $0x3;
	s14 =	sshll.u32 @!p1 s14, $0xF  }
0x27: {  	s16 =	sand.u32 @!p1 $0x7, s11;
	s15 =	sadd.s32 @!p1 s4, s15;
	s14 =	sand.u32 @!p1 $0x8000, s14  }
0x28: {  	[tilespmem:s14], [sflag:$0x2] =	stream.linear.gather @!p1 [hbm4b:s15+s16], $0x8000, $0x38;
	v63 =	vld [tilespmem:$0x0]  }
0x29: {  	p1 =	sge.u32 s31, s8  }
.Ltmp2:
0x2a: {  	_ = 	snop;
	(pc) =	sbr.rel @p1 .LBB2_5-.Ltmp2, $1  }
0x2b: {  	_ =	sdelay $0x3  }
0x2c: {  	s14 =	simm.s32 $0x1  }
0x2d: {  	_ =	swait.ge [sflag:s7], $0x8000;
	s14 =	simm.s32 @!p0 $0x0  }
0x2e: {  	[sflag:s7] =	ssyncset.done $0x0;
	s14 =	sshll.u32 s14, $0xF  }
0x2f: {  	[sflag:s7] =	ssyncadd.s32 $0xFFFF8000;
	(ifvalue) =	ssetifvalue $0x7FFFFFFF;
	v0 =	vld.msk [tilespmem:s14+$0x0 ss:$0x1], $0xffff;
	_ =	sdelay $0x4  }
0x30: {  	s15 =	sadd.s32 $0x10, s14;
	vm1 =	veq.s32 v0, $0x80000000;
	v1 =	vshrl.u32 v0, $0x2;
	v2 =	vshrl.u32 v0, $0xD  }
0x31: {  	v3 =	vld.msk [tilespmem:s15+$0x0 ss:$0x1], $0xffff;
	v0 =	vshll.u32 v0, $0x16;
	v1 =	vand.u32 $0x7FF, v1;
	v2 =	vand.u32 $0x7FF, v2  }
0x32: {  	v0 =	vand.u32 $0xC00000, v0;
	v1 =	vsel vm1, $0xFFFFFFFF, v1;
	v2 =	vsel vm1, $0xFFFFFFFF, v2  }
0x33: {  	v0 =	vsel vm1, $0xFFC00000, v0;
	v4 =	vand.u32 $0x7F, v2;
	v5 =	vshll.u32 v1, $0xB  }
0x34: {  	v2 =	vshll.u32 v2, $0x3;
	v5 =	vand.u32 $0xFFFFC000, v5;
	v0 =	vor.u32 v0, v4  }
0x35: {  	v1 =	vshll.u32 v1, $0x7;
	v2 =	vand.u32 $0xFFFFFC00, v2;
	v0 =	vadd.s32 v5, v0  }
0x36: {  	v61 =	vshrl.u32 v3, $0xD;
	v1 =	vand.u32 $0x380, v1;
	v0 =	vadd.s32 v2, v0  }
0x37: {  	s17 =	sadd.s32 $0x10, s15;
	vm1 =	veq.s32 v3, $0x80000000;
	v2 =	vshrl.u32 v3, $0x2;
	v1 =	vor.u32 v1, v0  }
0x38: {  	v4 =	vand.u32 $0x7FF, v61;
	v3 =	vshll.u32 v3, $0x16;
	v0 =	vld.msk [tilespmem:s17+$0x0 ss:$0x1], $0xffff;
	v2 =	vand.u32 $0x7FF, v2  }
0x39: {  	v4 =	vsel vm1, $0xFFFFFFFF, v4;
	v3 =	vand.u32 $0xC00000, v3;
	v2 =	vsel vm1, $0xFFFFFFFF, v2  }
0x3a: {  	s31 =	sshll.u32 s12, $0xF;
	v62 =	vand.u32 $0x7F, v4;
	v3 =	vsel vm1, $0xFFC00000, v3;
	v6 =	vshll.u32 v2, $0xB  }
0x3b: {  	s14 =	sor.u32 $0x10000, s14;
	s15 =	sand.u32 $0x8000, s31;
	v4 =	vshll.u32 v4, $0x3;
	(ifvalue) =	ssetifvalue $0x7FFFFFFF;
	v3 =	vor.u32 v3, v62;
	v6 =	vand.u32 $0xFFFFC000, v6  }
0x3c: {  	v4 =	vand.u32 $0xFFFFFC00, v4;
	[tilespmem:s14], [sflag:$0x1] =	stream.indirect_vreg.gather [hbm4b:s3+s10], $0x1, v1, vm0, $0x4038;
	v1 =	vshll.u32 v2, $0x7;
	v2 =	vadd.s32 v6, v3;
	v63 =	vld [tilespmem:$0x0]  }
0x3d: {  	s16 =	simm.s32 $0x20;
	s15 =	sor.u32 $0x10000, s15;
	s17 =	sadd.s32 $0x10, s17;
	vm1 =	veq.s32 v0, $0x80000000;
	v1 =	vand.u32 $0x380, v1;
	v2 =	vadd.s32 v4, v2  }
.LBB2_3:
0x3e: {  	v3 =	vld.msk [tilespmem:s17+$0x0 ss:$0x1], $0xffff;
	v4 =	vshrl.u32 v0, $0x2;
	v5 =	vshrl.u32 v0, $0xD;
	v1 =	vor.u32 v1, v2;
	s16 =	sadd.s32 $0x10, s16  }
0x3f: {  	v0 =	vshll.u32 v0, $0x16;
	v2 =	vand.u32 $0x7FF, v4;
	v4 =	vand.u32 $0x7FF, v5;
	p1 =	slt.u32 s16, $0x7FF0  }
.Ltmp3:
0x40: {  	v0 =	vand.u32 $0xC00000, v0;
	v2 =	vsel vm1, $0xFFFFFFFF, v2;
	v4 =	vsel vm1, $0xFFFFFFFF, v4;
	(pc) =	sbr.rel @p1 .LBB2_3-.Ltmp3, $4  }
0x41: {  	v0 =	vsel vm1, $0xFFC00000, v0;
	v5 =	vand.u32 $0x7F, v4;
	v6 =	vshll.u32 v2, $0xB  }
0x42: {  	s14 =	sadd.s32 $0x10, s14;
	v4 =	vshll.u32 v4, $0x3;
	v6 =	vand.u32 $0xFFFFC000, v6;
	v7 =	vor.u32 v0, v5;
	(ifvalue) =	ssetifvalue $0x7FFFFFFF  }
0x43: {  	v2 =	vshll.u32 v2, $0x7;
	v4 =	vand.u32 $0xFFFFFC00, v4;
	v5 =	vadd.s32 v6, v7;
	[tilespmem:s14], [sflag:$0x1] =	stream.indirect_vreg.gather [hbm4b:s3+s10], $0x1, v1, vm0, $0x4038;
	v63 =	vld [tilespmem:$0x0]  }
0x44: {  	s17 =	sadd.s32 $0x10, s17;
	vm1 =	veq.s32 v3, $0x80000000;
	v1 =	vand.u32 $0x380, v2;
	v0 =	vmovc v3;
	v2 =	vadd.s32 v4, v5  }
.Ltmp4:
0x45: {  	_ = 	snop;
	(pc) =	sbr.rel .LBB2_4-.Ltmp4, $1  }
0x46: {  	_ =	sdelay $0x3  }
.LBB2_6:
0x47: {  	_ =	sfence.sel $0x180000  }
0x48: {  	s2 =	simm.s32 $0x2;
	[bflag:$0x0] =	sbarrier.arrive $0xFFFF  }
0x49: {  	s30 =	simm.s32 $0x3;
	[sflag:s2] =	ssyncpa.u1 $0x1  }
0x4a: {  	s31 =	simm.s32 $0x1;
	[sflag:s30] =	ssyncpa.u1 $0x1  }
0x4b: {  	[sflag:s31] =	ssyncpa.u1 $0x1  }
0x4c: {  	p0 =	sne.s32 s1, $0x0;
	_ =	strace $0x9000004D  }
0x4d: {  	s0 =	sadd.s32 @!p0 $0x100000, s0;
	[bflag:$0x2] =	sbarrier.arrive $0xFFFF  }
0x4e: {  	[sflag:s0] =	ssyncadd.tile.s32 @!p0 $0x1;
	_ =	shalt  }
.Lfunc_end2:
_tile_overlayer_lowered:
.L_overlay_start_2:
0x4f: {  	(tag) =	ssettag $0x2  }
0x50: {  	s0 =	rddreg [dreg:$0x0];
	s2 =	stileid.u32  }
0x51: {  	s1 =	rddreg [dreg:$0x1];
	p0 =	sne.s32 s2, $0x0  }
0x52: {  	s3 =	rddreg [dreg:$0x2];
	[bflag:$0x3] =	sbarrier.arrive $0xFFFF;
	s2 =	simm.s32 @!p0 $0x1C01  }
0x53: {  	[timem:s3], [sflag:s2] =	dma.local @!p0 [hbm:s0], s1  }
0x54: {  	s0 =	simm.s32 @!p0 $0x1  }
0x55: {  	_ =	swait.ge @!p0 [sflag:s0], s1  }
0x56: {  	s1 =	ssub.s32 @!p0 $0x0, s1;
	[sflag:s0] =	ssyncset.done @!p0 $0x0  }
0x57: {  	[sflag:s0] =	ssyncadd.s32 @!p0 s1  }
0x58: {  	[bflag:$0x3] =	sbarrier.arrive $0xFFFF  }
0x59: {  	_ =	shalt  }

</sc_bundles>
